<compile_context>
chip_gen: v7x
topology: tpu7x:2x2x1
jax: 0.10.2.dev20260603
libtpu: 0.0.44.dev20260713+nightly
codegen_flags: <defaults>
</compile_context>

<pallas_src>
import jax
import jax.numpy as jnp
from jax import lax
from jax.experimental import pallas as pl
from jax.experimental.pallas import tpu as pltpu
from jax.experimental.pallas import tpu_sc as plsc

NC = 2
NS = 16
L = 16
NW = NC * NS

NCOL = 512
NROW = (16 * 1 * 512 * 512) // NCOL
NBLK = NROW // 8

TCR = 6144
TCB = 512
SC_BLK0 = TCR // 8
SC_NB = (NBLK - SC_BLK0) // NW
CB = 4
NCH = SC_NB // CB
NGRP = NCH // 2
CVEC = NCOL // L


def _sc_body(a_hbm, b_hbm, out_hbm, abuf, bbuf, acc, sa0, sa1, sb0, sb1):
    cid = lax.axis_index("c")
    sid = lax.axis_index("s")
    wid = sid * NC + cid
    blk_base = SC_BLK0 + wid * SC_NB

    sas = (sa0, sa1)
    sbs = (sb0, sb1)

    def start(chunk, slot):
        off = blk_base + chunk * CB
        pltpu.async_copy(a_hbm.at[pl.ds(off, CB)], abuf.at[slot], sas[slot])
        pltpu.async_copy(b_hbm.at[pl.ds(off, CB)], bbuf.at[slot], sbs[slot])

    def wait(slot):
        pltpu.make_async_copy(a_hbm.at[pl.ds(0, CB)], abuf.at[slot],
                              sas[slot]).wait()
        pltpu.make_async_copy(b_hbm.at[pl.ds(0, CB)], bbuf.at[slot],
                              sbs[slot]).wait()

    start(0, 0)
    start(1, 1)

    zf = jnp.zeros((L,), jnp.float32)
    zi = jnp.zeros((L,), jnp.int32)

    def group(g, carry):
        for slot in (0, 1):
            chunk = 2 * g + slot
            wait(slot)

            def rowfn(i, c, slot=slot):
                s1, c1, s2, c2 = c
                rlin = i >> 2
                ccg = i & 3
                blk = rlin >> 3
                r = rlin & 7
                col0 = ccg * (NCOL // 4)
                for k in range(CVEC // 4):
                    a = abuf[slot, blk, r, pl.ds(col0 + k * L, L)]
                    b = bbuf[slot, blk, r, pl.ds(col0 + k * L, L)]
                    d = a - b
                    sq = d * d
                    m1 = b > 0.0
                    m2 = a > 0.0
                    s1 = s1 + jnp.where(m1, sq, 0.0)
                    s2 = s2 + jnp.where(m2, sq, 0.0)
                    c1 = c1 + plsc.all_reduce_population_count(m1)
                    c2 = c2 + plsc.all_reduce_population_count(m2)
                return (s1, c1, s2, c2)

            carry = lax.fori_loop(0, CB * 8 * 4, rowfn, carry)

            nxt = chunk + 2

            @pl.when(nxt < NCH)
            def _(nxt=nxt, slot=slot):
                start(nxt, slot)
        return carry

    s1, c1, s2, c2 = lax.fori_loop(0, NGRP, group, (zf, zi, zf, zi))

    acc[0] = s1
    acc[1] = c1.astype(jnp.float32)
    acc[2] = s2
    acc[3] = c2.astype(jnp.float32)
    pltpu.sync_copy(acc, out_hbm.at[wid])


def _sc_reduce(a3, b3):
    mesh = plsc.VectorSubcoreMesh(core_axis_name="c", subcore_axis_name="s")
    return pl.kernel(
        _sc_body,
        out_type=jax.ShapeDtypeStruct((NW, 4, L), jnp.float32),
        mesh=mesh,
        compiler_params=pltpu.CompilerParams(use_tc_tiling_on_sc=True,
                                             needs_layout_passes=False),
        scratch_types=[
            pltpu.VMEM((2, CB, 8, NCOL), jnp.float32),
            pltpu.VMEM((2, CB, 8, NCOL), jnp.float32),
            pltpu.VMEM((4, L), jnp.float32),
            pltpu.SemaphoreType.DMA,
            pltpu.SemaphoreType.DMA,
            pltpu.SemaphoreType.DMA,
            pltpu.SemaphoreType.DMA,
        ],
    )(a3, b3)


def _tc_body(a_ref, b_ref, out_ref):
    step = pl.program_id(0)

    @pl.when(step == 0)
    def _():
        out_ref[...] = jnp.zeros_like(out_ref)

    a = a_ref[...]
    b = b_ref[...]
    d = a - b
    sq = d * d
    m1 = b > 0.0
    m2 = a > 0.0
    out_ref[0:1] += jnp.sum(jnp.where(m1, sq, 0.0), axis=0, keepdims=True)
    out_ref[1:2] += jnp.sum(jnp.where(m1, 1.0, 0.0), axis=0, keepdims=True)
    out_ref[2:3] += jnp.sum(jnp.where(m2, sq, 0.0), axis=0, keepdims=True)
    out_ref[3:4] += jnp.sum(jnp.where(m2, 1.0, 0.0), axis=0, keepdims=True)


def _tc_reduce(a2d, b2d):
    return pl.pallas_call(
        _tc_body,
        grid=(TCR // TCB,),
        in_specs=[
            pl.BlockSpec((TCB, NCOL), lambda i: (i, 0)),
            pl.BlockSpec((TCB, NCOL), lambda i: (i, 0)),
        ],
        out_specs=pl.BlockSpec((4, NCOL), lambda i: (0, 0)),
        out_shape=jax.ShapeDtypeStruct((4, NCOL), jnp.float32),
        compiler_params=pltpu.CompilerParams(
            dimension_semantics=("arbitrary",)),
    )(a2d, b2d)


def _finish_body(t_ref, p_ref, out_ref):
    t = t_ref[...]
    p = p_ref[...]
    rows = lax.broadcasted_iota(jnp.int32, t.shape, 0)
    comp = lax.broadcasted_iota(jnp.int32, p.shape, 1)
    s1 = jnp.sum(jnp.where(rows == 0, t, 0.0)) + \
        jnp.sum(jnp.where(comp == 0, p, 0.0))
    n1 = jnp.sum(jnp.where(rows == 1, t, 0.0)) + \
        jnp.sum(jnp.where(comp == 1, p, 0.0)) * (1.0 / L)
    s2 = jnp.sum(jnp.where(rows == 2, t, 0.0)) + \
        jnp.sum(jnp.where(comp == 2, p, 0.0))
    n2 = jnp.sum(jnp.where(rows == 3, t, 0.0)) + \
        jnp.sum(jnp.where(comp == 3, p, 0.0)) * (1.0 / L)
    l1 = s1 / n1
    l2 = s2 / n2
    loss = l1 + l2
    col = lax.broadcasted_iota(jnp.int32, (1, 128), 1)
    out_ref[...] = jnp.where(
        col == 0, loss, jnp.where(col == 1, l1,
                                  jnp.where(col == 2, l2, 0.0)))


def _finish(tc_partials, sc_partials):
    return pl.pallas_call(
        _finish_body,
        out_shape=jax.ShapeDtypeStruct((1, 128), jnp.float32),
    )(tc_partials, sc_partials)


def kernel(inputs, targets):
    a3 = inputs.reshape(NBLK, 8, NCOL)
    b3 = targets.reshape(NBLK, 8, NCOL)
    if TCR > 0:
        a2d = inputs.reshape(NROW, NCOL)
        b2d = targets.reshape(NROW, NCOL)
        tc_partials = _tc_reduce(a2d, b2d)
    else:
        tc_partials = jnp.zeros((4, NCOL), jnp.float32)
    sc_partials = _sc_reduce(a3, b3)
    res = _finish(tc_partials, sc_partials)
    return (res[0, 0], res[0, 1], res[0, 2])

# --- scband reference (transcript-rebuilt; emitter-appended) ---
"""Pipeline reference for scband-flood-mseloss-17377437680323 (READ-ONLY COPY).

The authoritative reference and input builder live on the scoring server;
editing this copy changes nothing except your own understanding.
"""

import jax, jax.numpy as jnp
import numpy as np


def setup_inputs(seed: int = 0) -> dict:
    key = jax.random.key(seed)
    k1, k2 = jax.random.split(key)
    inputs = jax.random.normal(k1, (16, 1, 512, 512), dtype=jnp.float32)
    targets = jax.random.normal(k2, (16, 1, 512, 512), dtype=jnp.float32)
    return {"inputs": inputs, "targets": targets}


def _masked_mse(a, b, mask):
    # Equivalent to F.mse_loss(masked_select(a, mask), masked_select(b, mask), reduction='mean')
    sq = (a - b) ** 2
    num = jnp.sum(jnp.where(mask, sq, 0.0))
    cnt = jnp.sum(mask.astype(jnp.float32))
    return num / cnt


def reference(inputs, targets):
    # mask 1: cells where the ground truth says there is flood (target > 0)
    mask_label = targets > 0
    # mask 2: cells where the model predicts flood (input > 0)
    mask_pred = inputs > 0
    loss_label = _masked_mse(inputs, targets, mask_label)
    loss_pred = _masked_mse(inputs, targets, mask_pred)
    loss = loss_label + loss_pred
    return (loss, loss_label, loss_pred)

if __name__ == "__main__":
    import jax
    _d = setup_inputs()
    print(jax.jit(kernel)(*tuple(_d.values())))

</pallas_src>

<mosaic_0001>
#map = affine_map<(d0, d1) -> (0, 0, 0)>
module attributes {stable_mosaic.version = 14 : i64} {
  func.func @_sc_body(%arg0: i32, %arg1: i32, %arg2: memref<1024x8x512xf32, #tpu.memory_space<hbm>>, %arg3: memref<1024x8x512xf32, #tpu.memory_space<hbm>>, %arg4: memref<32x4x16xf32, #tpu.memory_space<hbm>>, %arg5: memref<2x4x8x512xf32, #tpu.memory_space<vmem>>, %arg6: memref<2x4x8x512xf32, #tpu.memory_space<vmem>>, %arg7: memref<4x16xf32, #tpu.memory_space<vmem>>, %arg8: memref<!tpu.dma_semaphore, #tpu.memory_space<semaphore_mem>>, %arg9: memref<!tpu.dma_semaphore, #tpu.memory_space<semaphore_mem>>, %arg10: memref<!tpu.dma_semaphore, #tpu.memory_space<semaphore_mem>>, %arg11: memref<!tpu.dma_semaphore, #tpu.memory_space<semaphore_mem>>) attributes {dimension_semantics = [#tpu.dimension_semantics<core_parallel>, #tpu.dimension_semantics<subcore_parallel>], iteration_bounds = array<i64: 2, 16>, scalar_prefetch = 0 : i64, scratch_operands = 7 : i64, tpu.core_type = #tpu.core_type<sc_vector_subcore>, window_params = [{transform_indices = #map}, {transform_indices = #map}, {transform_indices = #map}]} {
    %mul3A = arith.constant 2 : i32
    %mul3A_0 = arith.muli %arg1, %mul3A : i32
    %add3A = arith.addi %mul3A_0, %arg0 : i32
    %mul3A_1 = arith.constant 8 : i32
    %mul3A_2 = arith.muli %add3A, %mul3A_1 : i32
    %add3A_3 = arith.constant 768 : i32
    %add3A_4 = arith.addi %add3A_3, %mul3A_2 : i32
    %add3A_5 = arith.constant 0 : i32
    %add3A_6 = arith.addi %add3A_4, %add3A_5 : i32
    %dma_start3A = arith.constant 0 : i32
    %dma_start3A_7 = arith.constant 0 : i32
    %dma_start3A_8 = arith.constant 0 : i32
    %dma_start3A_9 = arith.constant 0 : i32
    %dma_start3A_10 = tpu.memref_slice %arg5[%dma_start3A, %dma_start3A_7, %dma_start3A_8, %dma_start3A_9] : memref<2x4x8x512xf32, #tpu.memory_space<vmem>> -> memref<1x4x8x512xf32, #tpu.memory_space<vmem>>
    %dma_start3A_11 = tpu.memref_squeeze %dma_start3A_10 : memref<1x4x8x512xf32, #tpu.memory_space<vmem>> -> memref<4x8x512xf32, #tpu.memory_space<vmem>>
    %dma_start3A_12 = arith.constant 0 : i32
    %dma_start3A_13 = arith.constant 0 : i32
    %dma_start3A_14 = tpu.memref_slice %arg2[%add3A_6, %dma_start3A_12, %dma_start3A_13] : memref<1024x8x512xf32, #tpu.memory_space<hbm>> -> memref<4x8x512xf32, #tpu.memory_space<hbm>>
    %dma_start3A_15 = arith.constant 0 : i32
    %dma_start3A_16 = arith.constant 0 : i32
    %dma_start3A_17 = arith.constant 0 : i32
    %dma_start3A_18 = tpu.memref_slice %arg5[%dma_start3A, %dma_start3A_15, %dma_start3A_16, %dma_start3A_17] : memref<2x4x8x512xf32, #tpu.memory_space<vmem>> -> memref<1x4x8x512xf32, #tpu.memory_space<vmem>>
    %dma_start3A_19 = tpu.memref_squeeze %dma_start3A_18 : memref<1x4x8x512xf32, #tpu.memory_space<vmem>> -> memref<4x8x512xf32, #tpu.memory_space<vmem>>
    %dma_start3A_20 = arith.constant 0 : i32
    %dma_start3A_21 = arith.constant 0 : i32
    %dma_start3A_22 = tpu.memref_slice %arg2[%add3A_6, %dma_start3A_20, %dma_start3A_21] : memref<1024x8x512xf32, #tpu.memory_space<hbm>> -> memref<4x8x512xf32, #tpu.memory_space<hbm>>
    tpu.enqueue_dma source(%dma_start3A_22 : memref<4x8x512xf32, #tpu.memory_space<hbm>>) target(%dma_start3A_19 : memref<4x8x512xf32, #tpu.memory_space<vmem>>) target_semaphore(%arg8 : memref<!tpu.dma_semaphore, #tpu.memory_space<semaphore_mem>>)
    %dma_start3A_23 = arith.constant 0 : i32
    %dma_start3A_24 = arith.constant 0 : i32
    %dma_start3A_25 = arith.constant 0 : i32
    %dma_start3A_26 = arith.constant 0 : i32
    %dma_start3A_27 = tpu.memref_slice %arg6[%dma_start3A_23, %dma_start3A_24, %dma_start3A_25, %dma_start3A_26] : memref<2x4x8x512xf32, #tpu.memory_space<vmem>> -> memref<1x4x8x512xf32, #tpu.memory_space<vmem>>
    %dma_start3A_28 = tpu.memref_squeeze %dma_start3A_27 : memref<1x4x8x512xf32, #tpu.memory_space<vmem>> -> memref<4x8x512xf32, #tpu.memory_space<vmem>>
    %dma_start3A_29 = arith.constant 0 : i32
    %dma_start3A_30 = arith.constant 0 : i32
    %dma_start3A_31 = tpu.memref_slice %arg3[%add3A_6, %dma_start3A_29, %dma_start3A_30] : memref<1024x8x512xf32, #tpu.memory_space<hbm>> -> memref<4x8x512xf32, #tpu.memory_space<hbm>>
    %dma_start3A_32 = arith.constant 0 : i32
    %dma_start3A_33 = arith.constant 0 : i32
    %dma_start3A_34 = arith.constant 0 : i32
    %dma_start3A_35 = tpu.memref_slice %arg6[%dma_start3A_23, %dma_start3A_32, %dma_start3A_33, %dma_start3A_34] : memref<2x4x8x512xf32, #tpu.memory_space<vmem>> -> memref<1x4x8x512xf32, #tpu.memory_space<vmem>>
    %dma_start3A_36 = tpu.memref_squeeze %dma_start3A_35 : memref<1x4x8x512xf32, #tpu.memory_space<vmem>> -> memref<4x8x512xf32, #tpu.memory_space<vmem>>
    %dma_start3A_37 = arith.constant 0 : i32
    %dma_start3A_38 = arith.constant 0 : i32
    %dma_start3A_39 = tpu.memref_slice %arg3[%add3A_6, %dma_start3A_37, %dma_start3A_38] : memref<1024x8x512xf32, #tpu.memory_space<hbm>> -> memref<4x8x512xf32, #tpu.memory_space<hbm>>
    tpu.enqueue_dma source(%dma_start3A_39 : memref<4x8x512xf32, #tpu.memory_space<hbm>>) target(%dma_start3A_36 : memref<4x8x512xf32, #tpu.memory_space<vmem>>) target_semaphore(%arg10 : memref<!tpu.dma_semaphore, #tpu.memory_space<semaphore_mem>>)
    %add3A_40 = arith.constant 4 : i32
    %add3A_41 = arith.addi %add3A_4, %add3A_40 : i32
    %dma_start3A_42 = arith.constant 1 : i32
    %dma_start3A_43 = arith.constant 0 : i32
    %dma_start3A_44 = arith.constant 0 : i32
    %dma_start3A_45 = arith.constant 0 : i32
    %dma_start3A_46 = tpu.memref_slice %arg5[%dma_start3A_42, %dma_start3A_43, %dma_start3A_44, %dma_start3A_45] : memref<2x4x8x512xf32, #tpu.memory_space<vmem>> -> memref<1x4x8x512xf32, #tpu.memory_space<vmem>>
    %dma_start3A_47 = tpu.memref_squeeze %dma_start3A_46 : memref<1x4x8x512xf32, #tpu.memory_space<vmem>> -> memref<4x8x512xf32, #tpu.memory_space<vmem>>
    %dma_start3A_48 = arith.constant 0 : i32
    %dma_start3A_49 = arith.constant 0 : i32
    %dma_start3A_50 = tpu.memref_slice %arg2[%add3A_41, %dma_start3A_48, %dma_start3A_49] : memref<1024x8x512xf32, #tpu.memory_space<hbm>> -> memref<4x8x512xf32, #tpu.memory_space<hbm>>
    %dma_start3A_51 = arith.constant 0 : i32
    %dma_start3A_52 = arith.constant 0 : i32
    %dma_start3A_53 = arith.constant 0 : i32
    %dma_start3A_54 = tpu.memref_slice %arg5[%dma_start3A_42, %dma_start3A_51, %dma_start3A_52, %dma_start3A_53] : memref<2x4x8x512xf32, #tpu.memory_space<vmem>> -> memref<1x4x8x512xf32, #tpu.memory_space<vmem>>
    %dma_start3A_55 = tpu.memref_squeeze %dma_start3A_54 : memref<1x4x8x512xf32, #tpu.memory_space<vmem>> -> memref<4x8x512xf32, #tpu.memory_space<vmem>>
    %dma_start3A_56 = arith.constant 0 : i32
    %dma_start3A_57 = arith.constant 0 : i32
    %dma_start3A_58 = tpu.memref_slice %arg2[%add3A_41, %dma_start3A_56, %dma_start3A_57] : memref<1024x8x512xf32, #tpu.memory_space<hbm>> -> memref<4x8x512xf32, #tpu.memory_space<hbm>>
    tpu.enqueue_dma source(%dma_start3A_58 : memref<4x8x512xf32, #tpu.memory_space<hbm>>) target(%dma_start3A_55 : memref<4x8x512xf32, #tpu.memory_space<vmem>>) target_semaphore(%arg9 : memref<!tpu.dma_semaphore, #tpu.memory_space<semaphore_mem>>)
    %dma_start3A_59 = arith.constant 1 : i32
    %dma_start3A_60 = arith.constant 0 : i32
    %dma_start3A_61 = arith.constant 0 : i32
    %dma_start3A_62 = arith.constant 0 : i32
    %dma_start3A_63 = tpu.memref_slice %arg6[%dma_start3A_59, %dma_start3A_60, %dma_start3A_61, %dma_start3A_62] : memref<2x4x8x512xf32, #tpu.memory_space<vmem>> -> memref<1x4x8x512xf32, #tpu.memory_space<vmem>>
    %dma_start3A_64 = tpu.memref_squeeze %dma_start3A_63 : memref<1x4x8x512xf32, #tpu.memory_space<vmem>> -> memref<4x8x512xf32, #tpu.memory_space<vmem>>
    %dma_start3A_65 = arith.constant 0 : i32
    %dma_start3A_66 = arith.constant 0 : i32
    %dma_start3A_67 = tpu.memref_slice %arg3[%add3A_41, %dma_start3A_65, %dma_start3A_66] : memref<1024x8x512xf32, #tpu.memory_space<hbm>> -> memref<4x8x512xf32, #tpu.memory_space<hbm>>
    %dma_start3A_68 = arith.constant 0 : i32
    %dma_start3A_69 = arith.constant 0 : i32
    %dma_start3A_70 = arith.constant 0 : i32
    %dma_start3A_71 = tpu.memref_slice %arg6[%dma_start3A_59, %dma_start3A_68, %dma_start3A_69, %dma_start3A_70] : memref<2x4x8x512xf32, #tpu.memory_space<vmem>> -> memref<1x4x8x512xf32, #tpu.memory_space<vmem>>
    %dma_start3A_72 = tpu.memref_squeeze %dma_start3A_71 : memref<1x4x8x512xf32, #tpu.memory_space<vmem>> -> memref<4x8x512xf32, #tpu.memory_space<vmem>>
    %dma_start3A_73 = arith.constant 0 : i32
    %dma_start3A_74 = arith.constant 0 : i32
    %dma_start3A_75 = tpu.memref_slice %arg3[%add3A_41, %dma_start3A_73, %dma_start3A_74] : memref<1024x8x512xf32, #tpu.memory_space<hbm>> -> memref<4x8x512xf32, #tpu.memory_space<hbm>>
    tpu.enqueue_dma source(%dma_start3A_75 : memref<4x8x512xf32, #tpu.memory_space<hbm>>) target(%dma_start3A_72 : memref<4x8x512xf32, #tpu.memory_space<vmem>>) target_semaphore(%arg11 : memref<!tpu.dma_semaphore, #tpu.memory_space<semaphore_mem>>)
    %broadcast_in_dim3A = arith.constant 0.000000e+00 : f32
    %broadcast_in_dim3A_76 = vector.broadcast %broadcast_in_dim3A : f32 to vector<16xf32>
    %broadcast_in_dim3A_77 = arith.constant 0 : i32
    %broadcast_in_dim3A_78 = vector.broadcast %broadcast_in_dim3A_77 : i32 to vector<16xi32>
    %scan3A = arith.constant 0 : i32
    %mul3A_79 = arith.constant 2 : i32
    %mul3A_80 = arith.muli %mul3A_79, %scan3A : i32
    %add3A_81 = arith.constant 0 : i32
    %add3A_82 = arith.addi %mul3A_80, %add3A_81 : i32
    %dma_wait3A = arith.constant 0 : i32
    %dma_wait3A_83 = arith.constant 0 : i32
    %dma_wait3A_84 = arith.constant 0 : i32
    %dma_wait3A_85 = arith.constant 0 : i32
    %dma_wait3A_86 = tpu.memref_slice %arg5[%dma_wait3A, %dma_wait3A_83, %dma_wait3A_84, %dma_wait3A_85] : memref<2x4x8x512xf32, #tpu.memory_space<vmem>> -> memref<1x4x8x512xf32, #tpu.memory_space<vmem>>
    %dma_wait3A_87 = tpu.memref_squeeze %dma_wait3A_86 : memref<1x4x8x512xf32, #tpu.memory_space<vmem>> -> memref<4x8x512xf32, #tpu.memory_space<vmem>>
    %dma_wait3A_88 = arith.constant 0 : i32
    %dma_wait3A_89 = arith.constant 0 : i32
    %dma_wait3A_90 = arith.constant 0 : i32
    %dma_wait3A_91 = tpu.memref_slice %arg2[%dma_wait3A_88, %dma_wait3A_89, %dma_wait3A_90] : memref<1024x8x512xf32, #tpu.memory_space<hbm>> -> memref<4x8x512xf32, #tpu.memory_space<hbm>>
    %dma_wait3A_92 = arith.constant 0 : i32
    %dma_wait3A_93 = arith.constant 0 : i32
    %dma_wait3A_94 = arith.constant 0 : i32
    %dma_wait3A_95 = tpu.memref_slice %arg5[%dma_wait3A, %dma_wait3A_92, %dma_wait3A_93, %dma_wait3A_94] : memref<2x4x8x512xf32, #tpu.memory_space<vmem>> -> memref<1x4x8x512xf32, #tpu.memory_space<vmem>>
    %dma_wait3A_96 = tpu.memref_squeeze %dma_wait3A_95 : memref<1x4x8x512xf32, #tpu.memory_space<vmem>> -> memref<4x8x512xf32, #tpu.memory_space<vmem>>
    %dma_wait3A_97 = arith.constant 0 : i32
    %dma_wait3A_98 = arith.constant 0 : i32
    %dma_wait3A_99 = arith.constant 0 : i32
    %dma_wait3A_100 = tpu.memref_slice %arg2[%dma_wait3A_97, %dma_wait3A_98, %dma_wait3A_99] : memref<1024x8x512xf32, #tpu.memory_space<hbm>> -> memref<4x8x512xf32, #tpu.memory_space<hbm>>
    tpu.wait_dma2 semaphore(%arg8 : memref<!tpu.dma_semaphore, #tpu.memory_space<semaphore_mem>>) src(%dma_wait3A_100 : memref<4x8x512xf32, #tpu.memory_space<hbm>>) dst(%dma_wait3A_96 : memref<4x8x512xf32, #tpu.memory_space<vmem>>)
    %dma_wait3A_101 = arith.constant 0 : i32
    %dma_wait3A_102 = arith.constant 0 : i32
    %dma_wait3A_103 = arith.constant 0 : i32
    %dma_wait3A_104 = arith.constant 0 : i32
    %dma_wait3A_105 = tpu.memref_slice %arg6[%dma_wait3A_101, %dma_wait3A_102, %dma_wait3A_103, %dma_wait3A_104] : memref<2x4x8x512xf32, #tpu.memory_space<vmem>> -> memref<1x4x8x512xf32, #tpu.memory_space<vmem>>
    %dma_wait3A_106 = tpu.memref_squeeze %dma_wait3A_105 : memref<1x4x8x512xf32, #tpu.memory_space<vmem>> -> memref<4x8x512xf32, #tpu.memory_space<vmem>>
    %dma_wait3A_107 = arith.constant 0 : i32
    %dma_wait3A_108 = arith.constant 0 : i32
    %dma_wait3A_109 = arith.constant 0 : i32
    %dma_wait3A_110 = tpu.memref_slice %arg3[%dma_wait3A_107, %dma_wait3A_108, %dma_wait3A_109] : memref<1024x8x512xf32, #tpu.memory_space<hbm>> -> memref<4x8x512xf32, #tpu.memory_space<hbm>>
    %dma_wait3A_111 = arith.constant 0 : i32
    %dma_wait3A_112 = arith.constant 0 : i32
    %dma_wait3A_113 = arith.constant 0 : i32
    %dma_wait3A_114 = tpu.memref_slice %arg6[%dma_wait3A_101, %dma_wait3A_111, %dma_wait3A_112, %dma_wait3A_113] : memref<2x4x8x512xf32, #tpu.memory_space<vmem>> -> memref<1x4x8x512xf32, #tpu.memory_space<vmem>>
    %dma_wait3A_115 = tpu.memref_squeeze %dma_wait3A_114 : memref<1x4x8x512xf32, #tpu.memory_space<vmem>> -> memref<4x8x512xf32, #tpu.memory_space<vmem>>
    %dma_wait3A_116 = arith.constant 0 : i32
    %dma_wait3A_117 = arith.constant 0 : i32
    %dma_wait3A_118 = arith.constant 0 : i32
    %dma_wait3A_119 = tpu.memref_slice %arg3[%dma_wait3A_116, %dma_wait3A_117, %dma_wait3A_118] : memref<1024x8x512xf32, #tpu.memory_space<hbm>> -> memref<4x8x512xf32, #tpu.memory_space<hbm>>
    tpu.wait_dma2 semaphore(%arg10 : memref<!tpu.dma_semaphore, #tpu.memory_space<semaphore_mem>>) src(%dma_wait3A_119 : memref<4x8x512xf32, #tpu.memory_space<hbm>>) dst(%dma_wait3A_115 : memref<4x8x512xf32, #tpu.memory_space<vmem>>)
    %scan3A_120 = arith.constant 0 : i32
    %scan3A_121 = arith.constant 128 : i32
    %scan3A_122 = arith.addi %scan3A_120, %scan3A_121 : i32
    %scan3A_123 = arith.constant 1 : i32
    %scan3A_124:4 = scf.for %scan3A_203 = %scan3A_120 to %scan3A_122 step %scan3A_123 iter_args(%scan3A_204 = %broadcast_in_dim3A_76, %scan3A_205 = %broadcast_in_dim3A_78, %scan3A_206 = %broadcast_in_dim3A_76, %scan3A_207 = %broadcast_in_dim3A_78) -> (vector<16xf32>, vector<16xi32>, vector<16xf32>, vector<16xi32>)  : i32 {
      %shift_right_arithmetic3A = arith.constant 2 : i32
      %shift_right_arithmetic3A_208 = arith.shrsi %scan3A_203, %shift_right_arithmetic3A : i32
      %and3A = arith.constant 3 : i32
      %and3A_209 = arith.andi %scan3A_203, %and3A : i32
      %shift_right_arithmetic3A_210 = arith.constant 3 : i32
      %shift_right_arithmetic3A_211 = arith.shrsi %shift_right_arithmetic3A_208, %shift_right_arithmetic3A_210 : i32
      %and3A_212 = arith.constant 7 : i32
      %and3A_213 = arith.andi %shift_right_arithmetic3A_208, %and3A_212 : i32
      %mul3A_214 = arith.constant 128 : i32
      %mul3A_215 = arith.muli %and3A_209, %mul3A_214 : i32
      %add3A_216 = arith.constant 0 : i32
      %add3A_217 = arith.addi %mul3A_215, %add3A_216 : i32
      %get3A = arith.constant 0 : i32
      %get3A_218 = arith.index_cast %get3A : i32 to index
      %get3A_219 = arith.index_cast %shift_right_arithmetic3A_211 : i32 to index
      %get3A_220 = arith.index_cast %and3A_213 : i32 to index
      %get3A_221 = arith.index_cast %add3A_217 : i32 to index
      %get3A_222 = tpu.vector_load %arg5[%get3A_218, %get3A_219, %get3A_220, %get3A_221] {strides = array<i32>} : memref<2x4x8x512xf32, #tpu.memory_space<vmem>>, vector<16xf32>,
      %add3A_223 = arith.constant 0 : i32
      %add3A_224 = arith.addi %mul3A_215, %add3A_223 : i32
      %get3A_225 = arith.constant 0 : i32
      %get3A_226 = arith.index_cast %get3A_225 : i32 to index
      %get3A_227 = arith.index_cast %shift_right_arithmetic3A_211 : i32 to index
      %get3A_228 = arith.index_cast %and3A_213 : i32 to index
      %get3A_229 = arith.index_cast %add3A_224 : i32 to index
      %get3A_230 = tpu.vector_load %arg6[%get3A_226, %get3A_227, %get3A_228, %get3A_229] {strides = array<i32>} : memref<2x4x8x512xf32, #tpu.memory_space<vmem>>, vector<16xf32>,
      %sub3A = arith.subf %get3A_222, %get3A_230 : vector<16xf32>
      %mul3A_231 = arith.mulf %sub3A, %sub3A : vector<16xf32>
      %gt3A = arith.constant 0.000000e+00 : f32
      %gt3A_232 = vector.broadcast %gt3A : f32 to vector<16xf32>
      %gt3A_233 = arith.cmpf ogt, %get3A_230, %gt3A_232 : vector<16xf32>
      %gt3A_234 = arith.constant 0.000000e+00 : f32
      %gt3A_235 = vector.broadcast %gt3A_234 : f32 to vector<16xf32>
      %gt3A_236 = arith.cmpf ogt, %get3A_222, %gt3A_235 : vector<16xf32>
      %jit3A = arith.constant 0.000000e+00 : f32
      %broadcast_in_dim3A_237 = vector.broadcast %jit3A : f32 to vector<16xf32>
      %select_n3A = arith.select %gt3A_233, %mul3A_231, %broadcast_in_dim3A_237 : vector<16xi1>, vector<16xf32>
      %add3A_238 = arith.addf %scan3A_204, %select_n3A : vector<16xf32>
      %jit3A_239 = arith.constant 0.000000e+00 : f32
      %broadcast_in_dim3A_240 = vector.broadcast %jit3A_239 : f32 to vector<16xf32>
      %select_n3A_241 = arith.select %gt3A_236, %mul3A_231, %broadcast_in_dim3A_240 : vector<16xi1>, vector<16xf32>
      %add3A_242 = arith.addf %scan3A_206, %select_n3A_241 : vector<16xf32>
      %all_reduce_population_count3A = tpu.all_reduce %gt3A_233 {dim = 0 : i64, kind = #tpu.reduction_kind<sum>} : vector<16xi1> -> vector<16xi32>
      %add3A_243 = arith.addi %scan3A_205, %all_reduce_population_count3A : vector<16xi32>
      %all_reduce_population_count3A_244 = tpu.all_reduce %gt3A_236 {dim = 0 : i64, kind = #tpu.reduction_kind<sum>} : vector<16xi1> -> vector<16xi32>
      %add3A_245 = arith.addi %scan3A_207, %all_reduce_population_count3A_244 : vector<16xi32>
      %add3A_246 = arith.constant 16 : i32
      %add3A_247 = arith.addi %mul3A_215, %add3A_246 : i32
      %get3A_248 = arith.constant 0 : i32
      %get3A_249 = arith.index_cast %get3A_248 : i32 to index
      %get3A_250 = arith.index_cast %shift_right_arithmetic3A_211 : i32 to index
      %get3A_251 = arith.index_cast %and3A_213 : i32 to index
      %get3A_252 = arith.index_cast %add3A_247 : i32 to index
      %get3A_253 = tpu.vector_load %arg5[%get3A_249, %get3A_250, %get3A_251, %get3A_252] {strides = array<i32>} : memref<2x4x8x512xf32, #tpu.memory_space<vmem>>, vector<16xf32>,
      %add3A_254 = arith.constant 16 : i32
      %add3A_255 = arith.addi %mul3A_215, %add3A_254 : i32
      %get3A_256 = arith.constant 0 : i32
      %get3A_257 = arith.index_cast %get3A_256 : i32 to index
      %get3A_258 = arith.index_cast %shift_right_arithmetic3A_211 : i32 to index
      %get3A_259 = arith.index_cast %and3A_213 : i32 to index
      %get3A_260 = arith.index_cast %add3A_255 : i32 to index
      %get3A_261 = tpu.vector_load %arg6[%get3A_257, %get3A_258, %get3A_259, %get3A_260] {strides = array<i32>} : memref<2x4x8x512xf32, #tpu.memory_space<vmem>>, vector<16xf32>,
      %sub3A_262 = arith.subf %get3A_253, %get3A_261 : vector<16xf32>
      %mul3A_263 = arith.mulf %sub3A_262, %sub3A_262 : vector<16xf32>
      %gt3A_264 = arith.constant 0.000000e+00 : f32
      %gt3A_265 = vector.broadcast %gt3A_264 : f32 to vector<16xf32>
      %gt3A_266 = arith.cmpf ogt, %get3A_261, %gt3A_265 : vector<16xf32>
      %gt3A_267 = arith.constant 0.000000e+00 : f32
      %gt3A_268 = vector.broadcast %gt3A_267 : f32 to vector<16xf32>
      %gt3A_269 = arith.cmpf ogt, %get3A_253, %gt3A_268 : vector<16xf32>
      %jit3A_270 = arith.constant 0.000000e+00 : f32
      %broadcast_in_dim3A_271 = vector.broadcast %jit3A_270 : f32 to vector<16xf32>
      %select_n3A_272 = arith.select %gt3A_266, %mul3A_263, %broadcast_in_dim3A_271 : vector<16xi1>, vector<16xf32>
      %add3A_273 = arith.addf %add3A_238, %select_n3A_272 : vector<16xf32>
      %jit3A_274 = arith.constant 0.000000e+00 : f32
      %broadcast_in_dim3A_275 = vector.broadcast %jit3A_274 : f32 to vector<16xf32>
      %select_n3A_276 = arith.select %gt3A_269, %mul3A_263, %broadcast_in_dim3A_275 : vector<16xi1>, vector<16xf32>
      %add3A_277 = arith.addf %add3A_242, %select_n3A_276 : vector<16xf32>
      %all_reduce_population_count3A_278 = tpu.all_reduce %gt3A_266 {dim = 0 : i64, kind = #tpu.reduction_kind<sum>} : vector<16xi1> -> vector<16xi32>
      %add3A_279 = arith.addi %add3A_243, %all_reduce_population_count3A_278 : vector<16xi32>
      %all_reduce_population_count3A_280 = tpu.all_reduce %gt3A_269 {dim = 0 : i64, kind = #tpu.reduction_kind<sum>} : vector<16xi1> -> vector<16xi32>
      %add3A_281 = arith.addi %add3A_245, %all_reduce_population_count3A_280 : vector<16xi32>
      %add3A_282 = arith.constant 32 : i32
      %add3A_283 = arith.addi %mul3A_215, %add3A_282 : i32
      %get3A_284 = arith.constant 0 : i32
      %get3A_285 = arith.index_cast %get3A_284 : i32 to index
      %get3A_286 = arith.index_cast %shift_right_arithmetic3A_211 : i32 to index
      %get3A_287 = arith.index_cast %and3A_213 : i32 to index
      %get3A_288 = arith.index_cast %add3A_283 : i32 to index
      %get3A_289 = tpu.vector_load %arg5[%get3A_285, %get3A_286, %get3A_287, %get3A_288] {strides = array<i32>} : memref<2x4x8x512xf32, #tpu.memory_space<vmem>>, vector<16xf32>,
      %add3A_290 = arith.constant 32 : i32
      %add3A_291 = arith.addi %mul3A_215, %add3A_290 : i32
      %get3A_292 = arith.constant 0 : i32
      %get3A_293 = arith.index_cast %get3A_292 : i32 to index
      %get3A_294 = arith.index_cast %shift_right_arithmetic3A_211 : i32 to index
      %get3A_295 = arith.index_cast %and3A_213 : i32 to index
      %get3A_296 = arith.index_cast %add3A_291 : i32 to index
      %get3A_297 = tpu.vector_load %arg6[%get3A_293, %get3A_294, %get3A_295, %get3A_296] {strides = array<i32>} : memref<2x4x8x512xf32, #tpu.memory_space<vmem>>, vector<16xf32>,
      %sub3A_298 = arith.subf %get3A_289, %get3A_297 : vector<16xf32>
      %mul3A_299 = arith.mulf %sub3A_298, %sub3A_298 : vector<16xf32>
      %gt3A_300 = arith.constant 0.000000e+00 : f32
      %gt3A_301 = vector.broadcast %gt3A_300 : f32 to vector<16xf32>
      %gt3A_302 = arith.cmpf ogt, %get3A_297, %gt3A_301 : vector<16xf32>
      %gt3A_303 = arith.constant 0.000000e+00 : f32
      %gt3A_304 = vector.broadcast %gt3A_303 : f32 to vector<16xf32>
      %gt3A_305 = arith.cmpf ogt, %get3A_289, %gt3A_304 : vector<16xf32>
      %jit3A_306 = arith.constant 0.000000e+00 : f32
      %broadcast_in_dim3A_307 = vector.broadcast %jit3A_306 : f32 to vector<16xf32>
      %select_n3A_308 = arith.select %gt3A_302, %mul3A_299, %broadcast_in_dim3A_307 : vector<16xi1>, vector<16xf32>
      %add3A_309 = arith.addf %add3A_273, %select_n3A_308 : vector<16xf32>
      %jit3A_310 = arith.constant 0.000000e+00 : f32
      %broadcast_in_dim3A_311 = vector.broadcast %jit3A_310 : f32 to vector<16xf32>
      %select_n3A_312 = arith.select %gt3A_305, %mul3A_299, %broadcast_in_dim3A_311 : vector<16xi1>, vector<16xf32>
      %add3A_313 = arith.addf %add3A_277, %select_n3A_312 : vector<16xf32>
      %all_reduce_population_count3A_314 = tpu.all_reduce %gt3A_302 {dim = 0 : i64, kind = #tpu.reduction_kind<sum>} : vector<16xi1> -> vector<16xi32>
      %add3A_315 = arith.addi %add3A_279, %all_reduce_population_count3A_314 : vector<16xi32>
      %all_reduce_population_count3A_316 = tpu.all_reduce %gt3A_305 {dim = 0 : i64, kind = #tpu.reduction_kind<sum>} : vector<16xi1> -> vector<16xi32>
      %add3A_317 = arith.addi %add3A_281, %all_reduce_population_count3A_316 : vector<16xi32>
      %add3A_318 = arith.constant 48 : i32
      %add3A_319 = arith.addi %mul3A_215, %add3A_318 : i32
      %get3A_320 = arith.constant 0 : i32
      %get3A_321 = arith.index_cast %get3A_320 : i32 to index
      %get3A_322 = arith.index_cast %shift_right_arithmetic3A_211 : i32 to index
      %get3A_323 = arith.index_cast %and3A_213 : i32 to index
      %get3A_324 = arith.index_cast %add3A_319 : i32 to index
      %get3A_325 = tpu.vector_load %arg5[%get3A_321, %get3A_322, %get3A_323, %get3A_324] {strides = array<i32>} : memref<2x4x8x512xf32, #tpu.memory_space<vmem>>, vector<16xf32>,
      %add3A_326 = arith.constant 48 : i32
      %add3A_327 = arith.addi %mul3A_215, %add3A_326 : i32
      %get3A_328 = arith.constant 0 : i32
      %get3A_329 = arith.index_cast %get3A_328 : i32 to index
      %get3A_330 = arith.index_cast %shift_right_arithmetic3A_211 : i32 to index
      %get3A_331 = arith.index_cast %and3A_213 : i32 to index
      %get3A_332 = arith.index_cast %add3A_327 : i32 to index
      %get3A_333 = tpu.vector_load %arg6[%get3A_329, %get3A_330, %get3A_331, %get3A_332] {strides = array<i32>} : memref<2x4x8x512xf32, #tpu.memory_space<vmem>>, vector<16xf32>,
      %sub3A_334 = arith.subf %get3A_325, %get3A_333 : vector<16xf32>
      %mul3A_335 = arith.mulf %sub3A_334, %sub3A_334 : vector<16xf32>
      %gt3A_336 = arith.constant 0.000000e+00 : f32
      %gt3A_337 = vector.broadcast %gt3A_336 : f32 to vector<16xf32>
      %gt3A_338 = arith.cmpf ogt, %get3A_333, %gt3A_337 : vector<16xf32>
      %gt3A_339 = arith.constant 0.000000e+00 : f32
      %gt3A_340 = vector.broadcast %gt3A_339 : f32 to vector<16xf32>
      %gt3A_341 = arith.cmpf ogt, %get3A_325, %gt3A_340 : vector<16xf32>
      %jit3A_342 = arith.constant 0.000000e+00 : f32
      %broadcast_in_dim3A_343 = vector.broadcast %jit3A_342 : f32 to vector<16xf32>
      %select_n3A_344 = arith.select %gt3A_338, %mul3A_335, %broadcast_in_dim3A_343 : vector<16xi1>, vector<16xf32>
      %add3A_345 = arith.addf %add3A_309, %select_n3A_344 : vector<16xf32>
      %jit3A_346 = arith.constant 0.000000e+00 : f32
      %broadcast_in_dim3A_347 = vector.broadcast %jit3A_346 : f32 to vector<16xf32>
      %select_n3A_348 = arith.select %gt3A_341, %mul3A_335, %broadcast_in_dim3A_347 : vector<16xi1>, vector<16xf32>
      %add3A_349 = arith.addf %add3A_313, %select_n3A_348 : vector<16xf32>
      %all_reduce_population_count3A_350 = tpu.all_reduce %gt3A_338 {dim = 0 : i64, kind = #tpu.reduction_kind<sum>} : vector<16xi1> -> vector<16xi32>
      %add3A_351 = arith.addi %add3A_315, %all_reduce_population_count3A_350 : vector<16xi32>
      %all_reduce_population_count3A_352 = tpu.all_reduce %gt3A_341 {dim = 0 : i64, kind = #tpu.reduction_kind<sum>} : vector<16xi1> -> vector<16xi32>
      %add3A_353 = arith.addi %add3A_317, %all_reduce_population_count3A_352 : vector<16xi32>
      %add3A_354 = arith.constant 64 : i32
      %add3A_355 = arith.addi %mul3A_215, %add3A_354 : i32
      %get3A_356 = arith.constant 0 : i32
      %get3A_357 = arith.index_cast %get3A_356 : i32 to index
      %get3A_358 = arith.index_cast %shift_right_arithmetic3A_211 : i32 to index
      %get3A_359 = arith.index_cast %and3A_213 : i32 to index
      %get3A_360 = arith.index_cast %add3A_355 : i32 to index
      %get3A_361 = tpu.vector_load %arg5[%get3A_357, %get3A_358, %get3A_359, %get3A_360] {strides = array<i32>} : memref<2x4x8x512xf32, #tpu.memory_space<vmem>>, vector<16xf32>,
      %add3A_362 = arith.constant 64 : i32
      %add3A_363 = arith.addi %mul3A_215, %add3A_362 : i32
      %get3A_364 = arith.constant 0 : i32
      %get3A_365 = arith.index_cast %get3A_364 : i32 to index
      %get3A_366 = arith.index_cast %shift_right_arithmetic3A_211 : i32 to index
      %get3A_367 = arith.index_cast %and3A_213 : i32 to index
      %get3A_368 = arith.index_cast %add3A_363 : i32 to index
      %get3A_369 = tpu.vector_load %arg6[%get3A_365, %get3A_366, %get3A_367, %get3A_368] {strides = array<i32>} : memref<2x4x8x512xf32, #tpu.memory_space<vmem>>, vector<16xf32>,
      %sub3A_370 = arith.subf %get3A_361, %get3A_369 : vector<16xf32>
      %mul3A_371 = arith.mulf %sub3A_370, %sub3A_370 : vector<16xf32>
      %gt3A_372 = arith.constant 0.000000e+00 : f32
      %gt3A_373 = vector.broadcast %gt3A_372 : f32 to vector<16xf32>
      %gt3A_374 = arith.cmpf ogt, %get3A_369, %gt3A_373 : vector<16xf32>
      %gt3A_375 = arith.constant 0.000000e+00 : f32
      %gt3A_376 = vector.broadcast %gt3A_375 : f32 to vector<16xf32>
      %gt3A_377 = arith.cmpf ogt, %get3A_361, %gt3A_376 : vector<16xf32>
      %jit3A_378 = arith.constant 0.000000e+00 : f32
      %broadcast_in_dim3A_379 = vector.broadcast %jit3A_378 : f32 to vector<16xf32>
      %select_n3A_380 = arith.select %gt3A_374, %mul3A_371, %broadcast_in_dim3A_379 : vector<16xi1>, vector<16xf32>
      %add3A_381 = arith.addf %add3A_345, %select_n3A_380 : vector<16xf32>
      %jit3A_382 = arith.constant 0.000000e+00 : f32
      %broadcast_in_dim3A_383 = vector.broadcast %jit3A_382 : f32 to vector<16xf32>
      %select_n3A_384 = arith.select %gt3A_377, %mul3A_371, %broadcast_in_dim3A_383 : vector<16xi1>, vector<16xf32>
      %add3A_385 = arith.addf %add3A_349, %select_n3A_384 : vector<16xf32>
      %all_reduce_population_count3A_386 = tpu.all_reduce %gt3A_374 {dim = 0 : i64, kind = #tpu.reduction_kind<sum>} : vector<16xi1> -> vector<16xi32>
      %add3A_387 = arith.addi %add3A_351, %all_reduce_population_count3A_386 : vector<16xi32>
      %all_reduce_population_count3A_388 = tpu.all_reduce %gt3A_377 {dim = 0 : i64, kind = #tpu.reduction_kind<sum>} : vector<16xi1> -> vector<16xi32>
      %add3A_389 = arith.addi %add3A_353, %all_reduce_population_count3A_388 : vector<16xi32>
      %add3A_390 = arith.constant 80 : i32
      %add3A_391 = arith.addi %mul3A_215, %add3A_390 : i32
      %get3A_392 = arith.constant 0 : i32
      %get3A_393 = arith.index_cast %get3A_392 : i32 to index
      %get3A_394 = arith.index_cast %shift_right_arithmetic3A_211 : i32 to index
      %get3A_395 = arith.index_cast %and3A_213 : i32 to index
      %get3A_396 = arith.index_cast %add3A_391 : i32 to index
      %get3A_397 = tpu.vector_load %arg5[%get3A_393, %get3A_394, %get3A_395, %get3A_396] {strides = array<i32>} : memref<2x4x8x512xf32, #tpu.memory_space<vmem>>, vector<16xf32>,
      %add3A_398 = arith.constant 80 : i32
      %add3A_399 = arith.addi %mul3A_215, %add3A_398 : i32
      %get3A_400 = arith.constant 0 : i32
      %get3A_401 = arith.index_cast %get3A_400 : i32 to index
      %get3A_402 = arith.index_cast %shift_right_arithmetic3A_211 : i32 to index
      %get3A_403 = arith.index_cast %and3A_213 : i32 to index
      %get3A_404 = arith.index_cast %add3A_399 : i32 to index
      %get3A_405 = tpu.vector_load %arg6[%get3A_401, %get3A_402, %get3A_403, %get3A_404] {strides = array<i32>} : memref<2x4x8x512xf32, #tpu.memory_space<vmem>>, vector<16xf32>,
      %sub3A_406 = arith.subf %get3A_397, %get3A_405 : vector<16xf32>
      %mul3A_407 = arith.mulf %sub3A_406, %sub3A_406 : vector<16xf32>
      %gt3A_408 = arith.constant 0.000000e+00 : f32
      %gt3A_409 = vector.broadcast %gt3A_408 : f32 to vector<16xf32>
      %gt3A_410 = arith.cmpf ogt, %get3A_405, %gt3A_409 : vector<16xf32>
      %gt3A_411 = arith.constant 0.000000e+00 : f32
      %gt3A_412 = vector.broadcast %gt3A_411 : f32 to vector<16xf32>
      %gt3A_413 = arith.cmpf ogt, %get3A_397, %gt3A_412 : vector<16xf32>
      %jit3A_414 = arith.constant 0.000000e+00 : f32
      %broadcast_in_dim3A_415 = vector.broadcast %jit3A_414 : f32 to vector<16xf32>
      %select_n3A_416 = arith.select %gt3A_410, %mul3A_407, %broadcast_in_dim3A_415 : vector<16xi1>, vector<16xf32>
      %add3A_417 = arith.addf %add3A_381, %select_n3A_416 : vector<16xf32>
      %jit3A_418 = arith.constant 0.000000e+00 : f32
      %broadcast_in_dim3A_419 = vector.broadcast %jit3A_418 : f32 to vector<16xf32>
      %select_n3A_420 = arith.select %gt3A_413, %mul3A_407, %broadcast_in_dim3A_419 : vector<16xi1>, vector<16xf32>
      %add3A_421 = arith.addf %add3A_385, %select_n3A_420 : vector<16xf32>
      %all_reduce_population_count3A_422 = tpu.all_reduce %gt3A_410 {dim = 0 : i64, kind = #tpu.reduction_kind<sum>} : vector<16xi1> -> vector<16xi32>
      %add3A_423 = arith.addi %add3A_387, %all_reduce_population_count3A_422 : vector<16xi32>
      %all_reduce_population_count3A_424 = tpu.all_reduce %gt3A_413 {dim = 0 : i64, kind = #tpu.reduction_kind<sum>} : vector<16xi1> -> vector<16xi32>
      %add3A_425 = arith.addi %add3A_389, %all_reduce_population_count3A_424 : vector<16xi32>
      %add3A_426 = arith.constant 96 : i32
      %add3A_427 = arith.addi %mul3A_215, %add3A_426 : i32
      %get3A_428 = arith.constant 0 : i32
      %get3A_429 = arith.index_cast %get3A_428 : i32 to index
      %get3A_430 = arith.index_cast %shift_right_arithmetic3A_211 : i32 to index
      %get3A_431 = arith.index_cast %and3A_213 : i32 to index
      %get3A_432 = arith.index_cast %add3A_427 : i32 to index
      %get3A_433 = tpu.vector_load %arg5[%get3A_429, %get3A_430, %get3A_431, %get3A_432] {strides = array<i32>} : memref<2x4x8x512xf32, #tpu.memory_space<vmem>>, vector<16xf32>,
      %add3A_434 = arith.constant 96 : i32
      %add3A_435 = arith.addi %mul3A_215, %add3A_434 : i32
      %get3A_436 = arith.constant 0 : i32
      %get3A_437 = arith.index_cast %get3A_436 : i32 to index
      %get3A_438 = arith.index_cast %shift_right_arithmetic3A_211 : i32 to index
      %get3A_439 = arith.index_cast %and3A_213 : i32 to index
      %get3A_440 = arith.index_cast %add3A_435 : i32 to index
      %get3A_441 = tpu.vector_load %arg6[%get3A_437, %get3A_438, %get3A_439, %get3A_440] {strides = array<i32>} : memref<2x4x8x512xf32, #tpu.memory_space<vmem>>, vector<16xf32>,
      %sub3A_442 = arith.subf %get3A_433, %get3A_441 : vector<16xf32>
      %mul3A_443 = arith.mulf %sub3A_442, %sub3A_442 : vector<16xf32>
      %gt3A_444 = arith.constant 0.000000e+00 : f32
      %gt3A_445 = vector.broadcast %gt3A_444 : f32 to vector<16xf32>
      %gt3A_446 = arith.cmpf ogt, %get3A_441, %gt3A_445 : vector<16xf32>
      %gt3A_447 = arith.constant 0.000000e+00 : f32
      %gt3A_448 = vector.broadcast %gt3A_447 : f32 to vector<16xf32>
      %gt3A_449 = arith.cmpf ogt, %get3A_433, %gt3A_448 : vector<16xf32>
      %jit3A_450 = arith.constant 0.000000e+00 : f32
      %broadcast_in_dim3A_451 = vector.broadcast %jit3A_450 : f32 to vector<16xf32>
      %select_n3A_452 = arith.select %gt3A_446, %mul3A_443, %broadcast_in_dim3A_451 : vector<16xi1>, vector<16xf32>
      %add3A_453 = arith.addf %add3A_417, %select_n3A_452 : vector<16xf32>
      %jit3A_454 = arith.constant 0.000000e+00 : f32
      %broadcast_in_dim3A_455 = vector.broadcast %jit3A_454 : f32 to vector<16xf32>
      %select_n3A_456 = arith.select %gt3A_449, %mul3A_443, %broadcast_in_dim3A_455 : vector<16xi1>, vector<16xf32>
      %add3A_457 = arith.addf %add3A_421, %select_n3A_456 : vector<16xf32>
      %all_reduce_population_count3A_458 = tpu.all_reduce %gt3A_446 {dim = 0 : i64, kind = #tpu.reduction_kind<sum>} : vector<16xi1> -> vector<16xi32>
      %add3A_459 = arith.addi %add3A_423, %all_reduce_population_count3A_458 : vector<16xi32>
      %all_reduce_population_count3A_460 = tpu.all_reduce %gt3A_449 {dim = 0 : i64, kind = #tpu.reduction_kind<sum>} : vector<16xi1> -> vector<16xi32>
      %add3A_461 = arith.addi %add3A_425, %all_reduce_population_count3A_460 : vector<16xi32>
      %add3A_462 = arith.constant 112 : i32
      %add3A_463 = arith.addi %mul3A_215, %add3A_462 : i32
      %get3A_464 = arith.constant 0 : i32
      %get3A_465 = arith.index_cast %get3A_464 : i32 to index
      %get3A_466 = arith.index_cast %shift_right_arithmetic3A_211 : i32 to index
      %get3A_467 = arith.index_cast %and3A_213 : i32 to index
      %get3A_468 = arith.index_cast %add3A_463 : i32 to index
      %get3A_469 = tpu.vector_load %arg5[%get3A_465, %get3A_466, %get3A_467, %get3A_468] {strides = array<i32>} : memref<2x4x8x512xf32, #tpu.memory_space<vmem>>, vector<16xf32>,
      %add3A_470 = arith.constant 112 : i32
      %add3A_471 = arith.addi %mul3A_215, %add3A_470 : i32
      %get3A_472 = arith.constant 0 : i32
      %get3A_473 = arith.index_cast %get3A_472 : i32 to index
      %get3A_474 = arith.index_cast %shift_right_arithmetic3A_211 : i32 to index
      %get3A_475 = arith.index_cast %and3A_213 : i32 to index
      %get3A_476 = arith.index_cast %add3A_471 : i32 to index
      %get3A_477 = tpu.vector_load %arg6[%get3A_473, %get3A_474, %get3A_475, %get3A_476] {strides = array<i32>} : memref<2x4x8x512xf32, #tpu.memory_space<vmem>>, vector<16xf32>,
      %sub3A_478 = arith.subf %get3A_469, %get3A_477 : vector<16xf32>
      %mul3A_479 = arith.mulf %sub3A_478, %sub3A_478 : vector<16xf32>
      %gt3A_480 = arith.constant 0.000000e+00 : f32
      %gt3A_481 = vector.broadcast %gt3A_480 : f32 to vector<16xf32>
      %gt3A_482 = arith.cmpf ogt, %get3A_477, %gt3A_481 : vector<16xf32>
      %gt3A_483 = arith.constant 0.000000e+00 : f32
      %gt3A_484 = vector.broadcast %gt3A_483 : f32 to vector<16xf32>
      %gt3A_485 = arith.cmpf ogt, %get3A_469, %gt3A_484 : vector<16xf32>
      %jit3A_486 = arith.constant 0.000000e+00 : f32
      %broadcast_in_dim3A_487 = vector.broadcast %jit3A_486 : f32 to vector<16xf32>
      %select_n3A_488 = arith.select %gt3A_482, %mul3A_479, %broadcast_in_dim3A_487 : vector<16xi1>, vector<16xf32>
      %add3A_489 = arith.addf %add3A_453, %select_n3A_488 : vector<16xf32>
      %jit3A_490 = arith.constant 0.000000e+00 : f32
      %broadcast_in_dim3A_491 = vector.broadcast %jit3A_490 : f32 to vector<16xf32>
      %select_n3A_492 = arith.select %gt3A_485, %mul3A_479, %broadcast_in_dim3A_491 : vector<16xi1>, vector<16xf32>
      %add3A_493 = arith.addf %add3A_457, %select_n3A_492 : vector<16xf32>
      %all_reduce_population_count3A_494 = tpu.all_reduce %gt3A_482 {dim = 0 : i64, kind = #tpu.reduction_kind<sum>} : vector<16xi1> -> vector<16xi32>
      %add3A_495 = arith.addi %add3A_459, %all_reduce_population_count3A_494 : vector<16xi32>
      %all_reduce_population_count3A_496 = tpu.all_reduce %gt3A_485 {dim = 0 : i64, kind = #tpu.reduction_kind<sum>} : vector<16xi1> -> vector<16xi32>
      %add3A_497 = arith.addi %add3A_461, %all_reduce_population_count3A_496 : vector<16xi32>
      scf.yield %add3A_489, %add3A_495, %add3A_493, %add3A_497 : vector<16xf32>, vector<16xi32>, vector<16xf32>, vector<16xi32>
    }
    %scan3A_125 = arith.constant 128 : i32
    %add3A_126 = arith.constant 2 : i32
    %add3A_127 = arith.addi %add3A_82, %add3A_126 : i32
    %lt3A = arith.constant 2 : i32
    %lt3A_128 = arith.cmpi slt, %add3A_127, %lt3A : i32
    %convert_element_type3A = arith.extui %lt3A_128 : i1 to i32
    %cond3A = arith.constant 0 : i32
    %cond3A_129 = arith.cmpi ne, %convert_element_type3A, %cond3A : i32
    scf.if %cond3A_129 {
      %mul3A_203 = arith.constant 4 : i32
      %mul3A_204 = arith.muli %add3A_127, %mul3A_203 : i32
      %add3A_205 = arith.addi %add3A_4, %mul3A_204 : i32
      %dma_start3A_206 = arith.constant 0 : i32
      %dma_start3A_207 = arith.constant 0 : i32
      %dma_start3A_208 = arith.constant 0 : i32
      %dma_start3A_209 = arith.constant 0 : i32
      %dma_start3A_210 = tpu.memref_slice %arg5[%dma_start3A_206, %dma_start3A_207, %dma_start3A_208, %dma_start3A_209] : memref<2x4x8x512xf32, #tpu.memory_space<vmem>> -> memref<1x4x8x512xf32, #tpu.memory_space<vmem>>
      %dma_start3A_211 = tpu.memref_squeeze %dma_start3A_210 : memref<1x4x8x512xf32, #tpu.memory_space<vmem>> -> memref<4x8x512xf32, #tpu.memory_space<vmem>>
      %dma_start3A_212 = arith.constant 0 : i32
      %dma_start3A_213 = arith.constant 0 : i32
      %dma_start3A_214 = tpu.memref_slice %arg2[%add3A_205, %dma_start3A_212, %dma_start3A_213] : memref<1024x8x512xf32, #tpu.memory_space<hbm>> -> memref<4x8x512xf32, #tpu.memory_space<hbm>>
      %dma_start3A_215 = arith.constant 0 : i32
      %dma_start3A_216 = arith.constant 0 : i32
      %dma_start3A_217 = arith.constant 0 : i32
      %dma_start3A_218 = tpu.memref_slice %arg5[%dma_start3A_206, %dma_start3A_215, %dma_start3A_216, %dma_start3A_217] : memref<2x4x8x512xf32, #tpu.memory_space<vmem>> -> memref<1x4x8x512xf32, #tpu.memory_space<vmem>>
      %dma_start3A_219 = tpu.memref_squeeze %dma_start3A_218 : memref<1x4x8x512xf32, #tpu.memory_space<vmem>> -> memref<4x8x512xf32, #tpu.memory_space<vmem>>
      %dma_start3A_220 = arith.constant 0 : i32
      %dma_start3A_221 = arith.constant 0 : i32
      %dma_start3A_222 = tpu.memref_slice %arg2[%add3A_205, %dma_start3A_220, %dma_start3A_221] : memref<1024x8x512xf32, #tpu.memory_space<hbm>> -> memref<4x8x512xf32, #tpu.memory_space<hbm>>
      tpu.enqueue_dma source(%dma_start3A_222 : memref<4x8x512xf32, #tpu.memory_space<hbm>>) target(%dma_start3A_219 : memref<4x8x512xf32, #tpu.memory_space<vmem>>) target_semaphore(%arg8 : memref<!tpu.dma_semaphore, #tpu.memory_space<semaphore_mem>>)
      %dma_start3A_223 = arith.constant 0 : i32
      %dma_start3A_224 = arith.constant 0 : i32
      %dma_start3A_225 = arith.constant 0 : i32
      %dma_start3A_226 = arith.constant 0 : i32
      %dma_start3A_227 = tpu.memref_slice %arg6[%dma_start3A_223, %dma_start3A_224, %dma_start3A_225, %dma_start3A_226] : memref<2x4x8x512xf32, #tpu.memory_space<vmem>> -> memref<1x4x8x512xf32, #tpu.memory_space<vmem>>
      %dma_start3A_228 = tpu.memref_squeeze %dma_start3A_227 : memref<1x4x8x512xf32, #tpu.memory_space<vmem>> -> memref<4x8x512xf32, #tpu.memory_space<vmem>>
      %dma_start3A_229 = arith.constant 0 : i32
      %dma_start3A_230 = arith.constant 0 : i32
      %dma_start3A_231 = tpu.memref_slice %arg3[%add3A_205, %dma_start3A_229, %dma_start3A_230] : memref<1024x8x512xf32, #tpu.memory_space<hbm>> -> memref<4x8x512xf32, #tpu.memory_space<hbm>>
      %dma_start3A_232 = arith.constant 0 : i32
      %dma_start3A_233 = arith.constant 0 : i32
      %dma_start3A_234 = arith.constant 0 : i32
      %dma_start3A_235 = tpu.memref_slice %arg6[%dma_start3A_223, %dma_start3A_232, %dma_start3A_233, %dma_start3A_234] : memref<2x4x8x512xf32, #tpu.memory_space<vmem>> -> memref<1x4x8x512xf32, #tpu.memory_space<vmem>>
      %dma_start3A_236 = tpu.memref_squeeze %dma_start3A_235 : memref<1x4x8x512xf32, #tpu.memory_space<vmem>> -> memref<4x8x512xf32, #tpu.memory_space<vmem>>
      %dma_start3A_237 = arith.constant 0 : i32
      %dma_start3A_238 = arith.constant 0 : i32
      %dma_start3A_239 = tpu.memref_slice %arg3[%add3A_205, %dma_start3A_237, %dma_start3A_238] : memref<1024x8x512xf32, #tpu.memory_space<hbm>> -> memref<4x8x512xf32, #tpu.memory_space<hbm>>
      tpu.enqueue_dma source(%dma_start3A_239 : memref<4x8x512xf32, #tpu.memory_space<hbm>>) target(%dma_start3A_236 : memref<4x8x512xf32, #tpu.memory_space<vmem>>) target_semaphore(%arg10 : memref<!tpu.dma_semaphore, #tpu.memory_space<semaphore_mem>>)
    } else {
    }
    %mul3A_130 = arith.constant 2 : i32
    %mul3A_131 = arith.muli %mul3A_130, %scan3A : i32
    %add3A_132 = arith.constant 1 : i32
    %add3A_133 = arith.addi %mul3A_131, %add3A_132 : i32
    %dma_wait3A_134 = arith.constant 1 : i32
    %dma_wait3A_135 = arith.constant 0 : i32
    %dma_wait3A_136 = arith.constant 0 : i32
    %dma_wait3A_137 = arith.constant 0 : i32
    %dma_wait3A_138 = tpu.memref_slice %arg5[%dma_wait3A_134, %dma_wait3A_135, %dma_wait3A_136, %dma_wait3A_137] : memref<2x4x8x512xf32, #tpu.memory_space<vmem>> -> memref<1x4x8x512xf32, #tpu.memory_space<vmem>>
    %dma_wait3A_139 = tpu.memref_squeeze %dma_wait3A_138 : memref<1x4x8x512xf32, #tpu.memory_space<vmem>> -> memref<4x8x512xf32, #tpu.memory_space<vmem>>
    %dma_wait3A_140 = arith.constant 0 : i32
    %dma_wait3A_141 = arith.constant 0 : i32
    %dma_wait3A_142 = arith.constant 0 : i32
    %dma_wait3A_143 = tpu.memref_slice %arg2[%dma_wait3A_140, %dma_wait3A_141, %dma_wait3A_142] : memref<1024x8x512xf32, #tpu.memory_space<hbm>> -> memref<4x8x512xf32, #tpu.memory_space<hbm>>
    %dma_wait3A_144 = arith.constant 0 : i32
    %dma_wait3A_145 = arith.constant 0 : i32
    %dma_wait3A_146 = arith.constant 0 : i32
    %dma_wait3A_147 = tpu.memref_slice %arg5[%dma_wait3A_134, %dma_wait3A_144, %dma_wait3A_145, %dma_wait3A_146] : memref<2x4x8x512xf32, #tpu.memory_space<vmem>> -> memref<1x4x8x512xf32, #tpu.memory_space<vmem>>
    %dma_wait3A_148 = tpu.memref_squeeze %dma_wait3A_147 : memref<1x4x8x512xf32, #tpu.memory_space<vmem>> -> memref<4x8x512xf32, #tpu.memory_space<vmem>>
    %dma_wait3A_149 = arith.constant 0 : i32
    %dma_wait3A_150 = arith.constant 0 : i32
    %dma_wait3A_151 = arith.constant 0 : i32
    %dma_wait3A_152 = tpu.memref_slice %arg2[%dma_wait3A_149, %dma_wait3A_150, %dma_wait3A_151] : memref<1024x8x512xf32, #tpu.memory_space<hbm>> -> memref<4x8x512xf32, #tpu.memory_space<hbm>>
    tpu.wait_dma2 semaphore(%arg9 : memref<!tpu.dma_semaphore, #tpu.memory_space<semaphore_mem>>) src(%dma_wait3A_152 : memref<4x8x512xf32, #tpu.memory_space<hbm>>) dst(%dma_wait3A_148 : memref<4x8x512xf32, #tpu.memory_space<vmem>>)
    %dma_wait3A_153 = arith.constant 1 : i32
    %dma_wait3A_154 = arith.constant 0 : i32
    %dma_wait3A_155 = arith.constant 0 : i32
    %dma_wait3A_156 = arith.constant 0 : i32
    %dma_wait3A_157 = tpu.memref_slice %arg6[%dma_wait3A_153, %dma_wait3A_154, %dma_wait3A_155, %dma_wait3A_156] : memref<2x4x8x512xf32, #tpu.memory_space<vmem>> -> memref<1x4x8x512xf32, #tpu.memory_space<vmem>>
    %dma_wait3A_158 = tpu.memref_squeeze %dma_wait3A_157 : memref<1x4x8x512xf32, #tpu.memory_space<vmem>> -> memref<4x8x512xf32, #tpu.memory_space<vmem>>
    %dma_wait3A_159 = arith.constant 0 : i32
    %dma_wait3A_160 = arith.constant 0 : i32
    %dma_wait3A_161 = arith.constant 0 : i32
    %dma_wait3A_162 = tpu.memref_slice %arg3[%dma_wait3A_159, %dma_wait3A_160, %dma_wait3A_161] : memref<1024x8x512xf32, #tpu.memory_space<hbm>> -> memref<4x8x512xf32, #tpu.memory_space<hbm>>
    %dma_wait3A_163 = arith.constant 0 : i32
    %dma_wait3A_164 = arith.constant 0 : i32
    %dma_wait3A_165 = arith.constant 0 : i32
    %dma_wait3A_166 = tpu.memref_slice %arg6[%dma_wait3A_153, %dma_wait3A_163, %dma_wait3A_164, %dma_wait3A_165] : memref<2x4x8x512xf32, #tpu.memory_space<vmem>> -> memref<1x4x8x512xf32, #tpu.memory_space<vmem>>
    %dma_wait3A_167 = tpu.memref_squeeze %dma_wait3A_166 : memref<1x4x8x512xf32, #tpu.memory_space<vmem>> -> memref<4x8x512xf32, #tpu.memory_space<vmem>>
    %dma_wait3A_168 = arith.constant 0 : i32
    %dma_wait3A_169 = arith.constant 0 : i32
    %dma_wait3A_170 = arith.constant 0 : i32
    %dma_wait3A_171 = tpu.memref_slice %arg3[%dma_wait3A_168, %dma_wait3A_169, %dma_wait3A_170] : memref<1024x8x512xf32, #tpu.memory_space<hbm>> -> memref<4x8x512xf32, #tpu.memory_space<hbm>>
    tpu.wait_dma2 semaphore(%arg11 : memref<!tpu.dma_semaphore, #tpu.memory_space<semaphore_mem>>) src(%dma_wait3A_171 : memref<4x8x512xf32, #tpu.memory_space<hbm>>) dst(%dma_wait3A_167 : memref<4x8x512xf32, #tpu.memory_space<vmem>>)
    %scan3A_172 = arith.constant 0 : i32
    %scan3A_173 = arith.constant 128 : i32
    %scan3A_174 = arith.addi %scan3A_172, %scan3A_173 : i32
    %scan3A_175 = arith.constant 1 : i32
    %scan3A_176:4 = scf.for %scan3A_203 = %scan3A_172 to %scan3A_174 step %scan3A_175 iter_args(%scan3A_204 = %scan3A_124#0, %scan3A_205 = %scan3A_124#1, %scan3A_206 = %scan3A_124#2, %scan3A_207 = %scan3A_124#3) -> (vector<16xf32>, vector<16xi32>, vector<16xf32>, vector<16xi32>)  : i32 {
      %shift_right_arithmetic3A = arith.constant 2 : i32
      %shift_right_arithmetic3A_208 = arith.shrsi %scan3A_203, %shift_right_arithmetic3A : i32
      %and3A = arith.constant 3 : i32
      %and3A_209 = arith.andi %scan3A_203, %and3A : i32
      %shift_right_arithmetic3A_210 = arith.constant 3 : i32
      %shift_right_arithmetic3A_211 = arith.shrsi %shift_right_arithmetic3A_208, %shift_right_arithmetic3A_210 : i32
      %and3A_212 = arith.constant 7 : i32
      %and3A_213 = arith.andi %shift_right_arithmetic3A_208, %and3A_212 : i32
      %mul3A_214 = arith.constant 128 : i32
      %mul3A_215 = arith.muli %and3A_209, %mul3A_214 : i32
      %add3A_216 = arith.constant 0 : i32
      %add3A_217 = arith.addi %mul3A_215, %add3A_216 : i32
      %get3A = arith.constant 1 : i32
      %get3A_218 = arith.index_cast %get3A : i32 to index
      %get3A_219 = arith.index_cast %shift_right_arithmetic3A_211 : i32 to index
      %get3A_220 = arith.index_cast %and3A_213 : i32 to index
      %get3A_221 = arith.index_cast %add3A_217 : i32 to index
      %get3A_222 = tpu.vector_load %arg5[%get3A_218, %get3A_219, %get3A_220, %get3A_221] {strides = array<i32>} : memref<2x4x8x512xf32, #tpu.memory_space<vmem>>, vector<16xf32>,
      %add3A_223 = arith.constant 0 : i32
      %add3A_224 = arith.addi %mul3A_215, %add3A_223 : i32
      %get3A_225 = arith.constant 1 : i32
      %get3A_226 = arith.index_cast %get3A_225 : i32 to index
      %get3A_227 = arith.index_cast %shift_right_arithmetic3A_211 : i32 to index
      %get3A_228 = arith.index_cast %and3A_213 : i32 to index
      %get3A_229 = arith.index_cast %add3A_224 : i32 to index
      %get3A_230 = tpu.vector_load %arg6[%get3A_226, %get3A_227, %get3A_228, %get3A_229] {strides = array<i32>} : memref<2x4x8x512xf32, #tpu.memory_space<vmem>>, vector<16xf32>,
      %sub3A = arith.subf %get3A_222, %get3A_230 : vector<16xf32>
      %mul3A_231 = arith.mulf %sub3A, %sub3A : vector<16xf32>
      %gt3A = arith.constant 0.000000e+00 : f32
      %gt3A_232 = vector.broadcast %gt3A : f32 to vector<16xf32>
      %gt3A_233 = arith.cmpf ogt, %get3A_230, %gt3A_232 : vector<16xf32>
      %gt3A_234 = arith.constant 0.000000e+00 : f32
      %gt3A_235 = vector.broadcast %gt3A_234 : f32 to vector<16xf32>
      %gt3A_236 = arith.cmpf ogt, %get3A_222, %gt3A_235 : vector<16xf32>
      %jit3A = arith.constant 0.000000e+00 : f32
      %broadcast_in_dim3A_237 = vector.broadcast %jit3A : f32 to vector<16xf32>
      %select_n3A = arith.select %gt3A_233, %mul3A_231, %broadcast_in_dim3A_237 : vector<16xi1>, vector<16xf32>
      %add3A_238 = arith.addf %scan3A_204, %select_n3A : vector<16xf32>
      %jit3A_239 = arith.constant 0.000000e+00 : f32
      %broadcast_in_dim3A_240 = vector.broadcast %jit3A_239 : f32 to vector<16xf32>
      %select_n3A_241 = arith.select %gt3A_236, %mul3A_231, %broadcast_in_dim3A_240 : vector<16xi1>, vector<16xf32>
      %add3A_242 = arith.addf %scan3A_206, %select_n3A_241 : vector<16xf32>
      %all_reduce_population_count3A = tpu.all_reduce %gt3A_233 {dim = 0 : i64, kind = #tpu.reduction_kind<sum>} : vector<16xi1> -> vector<16xi32>
      %add3A_243 = arith.addi %scan3A_205, %all_reduce_population_count3A : vector<16xi32>
      %all_reduce_population_count3A_244 = tpu.all_reduce %gt3A_236 {dim = 0 : i64, kind = #tpu.reduction_kind<sum>} : vector<16xi1> -> vector<16xi32>
      %add3A_245 = arith.addi %scan3A_207, %all_reduce_population_count3A_244 : vector<16xi32>
      %add3A_246 = arith.constant 16 : i32
      %add3A_247 = arith.addi %mul3A_215, %add3A_246 : i32
      %get3A_248 = arith.constant 1 : i32
      %get3A_249 = arith.index_cast %get3A_248 : i32 to index
      %get3A_250 = arith.index_cast %shift_right_arithmetic3A_211 : i32 to index
      %get3A_251 = arith.index_cast %and3A_213 : i32 to index
      %get3A_252 = arith.index_cast %add3A_247 : i32 to index
      %get3A_253 = tpu.vector_load %arg5[%get3A_249, %get3A_250, %get3A_251, %get3A_252] {strides = array<i32>} : memref<2x4x8x512xf32, #tpu.memory_space<vmem>>, vector<16xf32>,
      %add3A_254 = arith.constant 16 : i32
      %add3A_255 = arith.addi %mul3A_215, %add3A_254 : i32
      %get3A_256 = arith.constant 1 : i32
      %get3A_257 = arith.index_cast %get3A_256 : i32 to index
      %get3A_258 = arith.index_cast %shift_right_arithmetic3A_211 : i32 to index
      %get3A_259 = arith.index_cast %and3A_213 : i32 to index
      %get3A_260 = arith.index_cast %add3A_255 : i32 to index
      %get3A_261 = tpu.vector_load %arg6[%get3A_257, %get3A_258, %get3A_259, %get3A_260] {strides = array<i32>} : memref<2x4x8x512xf32, #tpu.memory_space<vmem>>, vector<16xf32>,
      %sub3A_262 = arith.subf %get3A_253, %get3A_261 : vector<16xf32>
      %mul3A_263 = arith.mulf %sub3A_262, %sub3A_262 : vector<16xf32>
      %gt3A_264 = arith.constant 0.000000e+00 : f32
      %gt3A_265 = vector.broadcast %gt3A_264 : f32 to vector<16xf32>
      %gt3A_266 = arith.cmpf ogt, %get3A_261, %gt3A_265 : vector<16xf32>
      %gt3A_267 = arith.constant 0.000000e+00 : f32
      %gt3A_268 = vector.broadcast %gt3A_267 : f32 to vector<16xf32>
      %gt3A_269 = arith.cmpf ogt, %get3A_253, %gt3A_268 : vector<16xf32>
      %jit3A_270 = arith.constant 0.000000e+00 : f32
      %broadcast_in_dim3A_271 = vector.broadcast %jit3A_270 : f32 to vector<16xf32>
      %select_n3A_272 = arith.select %gt3A_266, %mul3A_263, %broadcast_in_dim3A_271 : vector<16xi1>, vector<16xf32>
      %add3A_273 = arith.addf %add3A_238, %select_n3A_272 : vector<16xf32>
      %jit3A_274 = arith.constant 0.000000e+00 : f32
      %broadcast_in_dim3A_275 = vector.broadcast %jit3A_274 : f32 to vector<16xf32>
      %select_n3A_276 = arith.select %gt3A_269, %mul3A_263, %broadcast_in_dim3A_275 : vector<16xi1>, vector<16xf32>
      %add3A_277 = arith.addf %add3A_242, %select_n3A_276 : vector<16xf32>
      %all_reduce_population_count3A_278 = tpu.all_reduce %gt3A_266 {dim = 0 : i64, kind = #tpu.reduction_kind<sum>} : vector<16xi1> -> vector<16xi32>
      %add3A_279 = arith.addi %add3A_243, %all_reduce_population_count3A_278 : vector<16xi32>
      %all_reduce_population_count3A_280 = tpu.all_reduce %gt3A_269 {dim = 0 : i64, kind = #tpu.reduction_kind<sum>} : vector<16xi1> -> vector<16xi32>
      %add3A_281 = arith.addi %add3A_245, %all_reduce_population_count3A_280 : vector<16xi32>
      %add3A_282 = arith.constant 32 : i32
      %add3A_283 = arith.addi %mul3A_215, %add3A_282 : i32
      %get3A_284 = arith.constant 1 : i32
      %get3A_285 = arith.index_cast %get3A_284 : i32 to index
      %get3A_286 = arith.index_cast %shift_right_arithmetic3A_211 : i32 to index
      %get3A_287 = arith.index_cast %and3A_213 : i32 to index
      %get3A_288 = arith.index_cast %add3A_283 : i32 to index
      %get3A_289 = tpu.vector_load %arg5[%get3A_285, %get3A_286, %get3A_287, %get3A_288] {strides = array<i32>} : memref<2x4x8x512xf32, #tpu.memory_space<vmem>>, vector<16xf32>,
      %add3A_290 = arith.constant 32 : i32
      %add3A_291 = arith.addi %mul3A_215, %add3A_290 : i32
      %get3A_292 = arith.constant 1 : i32
      %get3A_293 = arith.index_cast %get3A_292 : i32 to index
      %get3A_294 = arith.index_cast %shift_right_arithmetic3A_211 : i32 to index
      %get3A_295 = arith.index_cast %and3A_213 : i32 to index
      %get3A_296 = arith.index_cast %add3A_291 : i32 to index
      %get3A_297 = tpu.vector_load %arg6[%get3A_293, %get3A_294, %get3A_295, %get3A_296] {strides = array<i32>} : memref<2x4x8x512xf32, #tpu.memory_space<vmem>>, vector<16xf32>,
      %sub3A_298 = arith.subf %get3A_289, %get3A_297 : vector<16xf32>
      %mul3A_299 = arith.mulf %sub3A_298, %sub3A_298 : vector<16xf32>
      %gt3A_300 = arith.constant 0.000000e+00 : f32
      %gt3A_301 = vector.broadcast %gt3A_300 : f32 to vector<16xf32>
      %gt3A_302 = arith.cmpf ogt, %get3A_297, %gt3A_301 : vector<16xf32>
      %gt3A_303 = arith.constant 0.000000e+00 : f32
      %gt3A_304 = vector.broadcast %gt3A_303 : f32 to vector<16xf32>
      %gt3A_305 = arith.cmpf ogt, %get3A_289, %gt3A_304 : vector<16xf32>
      %jit3A_306 = arith.constant 0.000000e+00 : f32
      %broadcast_in_dim3A_307 = vector.broadcast %jit3A_306 : f32 to vector<16xf32>
      %select_n3A_308 = arith.select %gt3A_302, %mul3A_299, %broadcast_in_dim3A_307 : vector<16xi1>, vector<16xf32>
      %add3A_309 = arith.addf %add3A_273, %select_n3A_308 : vector<16xf32>
      %jit3A_310 = arith.constant 0.000000e+00 : f32
      %broadcast_in_dim3A_311 = vector.broadcast %jit3A_310 : f32 to vector<16xf32>
      %select_n3A_312 = arith.select %gt3A_305, %mul3A_299, %broadcast_in_dim3A_311 : vector<16xi1>, vector<16xf32>
      %add3A_313 = arith.addf %add3A_277, %select_n3A_312 : vector<16xf32>
      %all_reduce_population_count3A_314 = tpu.all_reduce %gt3A_302 {dim = 0 : i64, kind = #tpu.reduction_kind<sum>} : vector<16xi1> -> vector<16xi32>
      %add3A_315 = arith.addi %add3A_279, %all_reduce_population_count3A_314 : vector<16xi32>
      %all_reduce_population_count3A_316 = tpu.all_reduce %gt3A_305 {dim = 0 : i64, kind = #tpu.reduction_kind<sum>} : vector<16xi1> -> vector<16xi32>
      %add3A_317 = arith.addi %add3A_281, %all_reduce_population_count3A_316 : vector<16xi32>
      %add3A_318 = arith.constant 48 : i32
      %add3A_319 = arith.addi %mul3A_215, %add3A_318 : i32
      %get3A_320 = arith.constant 1 : i32
      %get3A_321 = arith.index_cast %get3A_320 : i32 to index
      %get3A_322 = arith.index_cast %shift_right_arithmetic3A_211 : i32 to index
      %get3A_323 = arith.index_cast %and3A_213 : i32 to index
      %get3A_324 = arith.index_cast %add3A_319 : i32 to index
      %get3A_325 = tpu.vector_load %arg5[%get3A_321, %get3A_322, %get3A_323, %get3A_324] {strides = array<i32>} : memref<2x4x8x512xf32, #tpu.memory_space<vmem>>, vector<16xf32>,
      %add3A_326 = arith.constant 48 : i32
      %add3A_327 = arith.addi %mul3A_215, %add3A_326 : i32
      %get3A_328 = arith.constant 1 : i32
      %get3A_329 = arith.index_cast %get3A_328 : i32 to index
      %get3A_330 = arith.index_cast %shift_right_arithmetic3A_211 : i32 to index
      %get3A_331 = arith.index_cast %and3A_213 : i32 to index
      %get3A_332 = arith.index_cast %add3A_327 : i32 to index
      %get3A_333 = tpu.vector_load %arg6[%get3A_329, %get3A_330, %get3A_331, %get3A_332] {strides = array<i32>} : memref<2x4x8x512xf32, #tpu.memory_space<vmem>>, vector<16xf32>,
      %sub3A_334 = arith.subf %get3A_325, %get3A_333 : vector<16xf32>
      %mul3A_335 = arith.mulf %sub3A_334, %sub3A_334 : vector<16xf32>
      %gt3A_336 = arith.constant 0.000000e+00 : f32
      %gt3A_337 = vector.broadcast %gt3A_336 : f32 to vector<16xf32>
      %gt3A_338 = arith.cmpf ogt, %get3A_333, %gt3A_337 : vector<16xf32>
      %gt3A_339 = arith.constant 0.000000e+00 : f32
      %gt3A_340 = vector.broadcast %gt3A_339 : f32 to vector<16xf32>
      %gt3A_341 = arith.cmpf ogt, %get3A_325, %gt3A_340 : vector<16xf32>
      %jit3A_342 = arith.constant 0.000000e+00 : f32
      %broadcast_in_dim3A_343 = vector.broadcast %jit3A_342 : f32 to vector<16xf32>
      %select_n3A_344 = arith.select %gt3A_338, %mul3A_335, %broadcast_in_dim3A_343 : vector<16xi1>, vector<16xf32>
      %add3A_345 = arith.addf %add3A_309, %select_n3A_344 : vector<16xf32>
      %jit3A_346 = arith.constant 0.000000e+00 : f32
      %broadcast_in_dim3A_347 = vector.broadcast %jit3A_346 : f32 to vector<16xf32>
      %select_n3A_348 = arith.select %gt3A_341, %mul3A_335, %broadcast_in_dim3A_347 : vector<16xi1>, vector<16xf32>
      %add3A_349 = arith.addf %add3A_313, %select_n3A_348 : vector<16xf32>
      %all_reduce_population_count3A_350 = tpu.all_reduce %gt3A_338 {dim = 0 : i64, kind = #tpu.reduction_kind<sum>} : vector<16xi1> -> vector<16xi32>
      %add3A_351 = arith.addi %add3A_315, %all_reduce_population_count3A_350 : vector<16xi32>
      %all_reduce_population_count3A_352 = tpu.all_reduce %gt3A_341 {dim = 0 : i64, kind = #tpu.reduction_kind<sum>} : vector<16xi1> -> vector<16xi32>
      %add3A_353 = arith.addi %add3A_317, %all_reduce_population_count3A_352 : vector<16xi32>
      %add3A_354 = arith.constant 64 : i32
      %add3A_355 = arith.addi %mul3A_215, %add3A_354 : i32
      %get3A_356 = arith.constant 1 : i32
      %get3A_357 = arith.index_cast %get3A_356 : i32 to index
      %get3A_358 = arith.index_cast %shift_right_arithmetic3A_211 : i32 to index
      %get3A_359 = arith.index_cast %and3A_213 : i32 to index
      %get3A_360 = arith.index_cast %add3A_355 : i32 to index
      %get3A_361 = tpu.vector_load %arg5[%get3A_357, %get3A_358, %get3A_359, %get3A_360] {strides = array<i32>} : memref<2x4x8x512xf32, #tpu.memory_space<vmem>>, vector<16xf32>,
      %add3A_362 = arith.constant 64 : i32
      %add3A_363 = arith.addi %mul3A_215, %add3A_362 : i32
      %get3A_364 = arith.constant 1 : i32
      %get3A_365 = arith.index_cast %get3A_364 : i32 to index
      %get3A_366 = arith.index_cast %shift_right_arithmetic3A_211 : i32 to index
      %get3A_367 = arith.index_cast %and3A_213 : i32 to index
      %get3A_368 = arith.index_cast %add3A_363 : i32 to index
      %get3A_369 = tpu.vector_load %arg6[%get3A_365, %get3A_366, %get3A_367, %get3A_368] {strides = array<i32>} : memref<2x4x8x512xf32, #tpu.memory_space<vmem>>, vector<16xf32>,
      %sub3A_370 = arith.subf %get3A_361, %get3A_369 : vector<16xf32>
      %mul3A_371 = arith.mulf %sub3A_370, %sub3A_370 : vector<16xf32>
      %gt3A_372 = arith.constant 0.000000e+00 : f32
      %gt3A_373 = vector.broadcast %gt3A_372 : f32 to vector<16xf32>
      %gt3A_374 = arith.cmpf ogt, %get3A_369, %gt3A_373 : vector<16xf32>
      %gt3A_375 = arith.constant 0.000000e+00 : f32
      %gt3A_376 = vector.broadcast %gt3A_375 : f32 to vector<16xf32>
      %gt3A_377 = arith.cmpf ogt, %get3A_361, %gt3A_376 : vector<16xf32>
      %jit3A_378 = arith.constant 0.000000e+00 : f32
      %broadcast_in_dim3A_379 = vector.broadcast %jit3A_378 : f32 to vector<16xf32>
      %select_n3A_380 = arith.select %gt3A_374, %mul3A_371, %broadcast_in_dim3A_379 : vector<16xi1>, vector<16xf32>
      %add3A_381 = arith.addf %add3A_345, %select_n3A_380 : vector<16xf32>
      %jit3A_382 = arith.constant 0.000000e+00 : f32
      %broadcast_in_dim3A_383 = vector.broadcast %jit3A_382 : f32 to vector<16xf32>
      %select_n3A_384 = arith.select %gt3A_377, %mul3A_371, %broadcast_in_dim3A_383 : vector<16xi1>, vector<16xf32>
      %add3A_385 = arith.addf %add3A_349, %select_n3A_384 : vector<16xf32>
      %all_reduce_population_count3A_386 = tpu.all_reduce %gt3A_374 {dim = 0 : i64, kind = #tpu.reduction_kind<sum>} : vector<16xi1> -> vector<16xi32>
      %add3A_387 = arith.addi %add3A_351, %all_reduce_population_count3A_386 : vector<16xi32>
      %all_reduce_population_count3A_388 = tpu.all_reduce %gt3A_377 {dim = 0 : i64, kind = #tpu.reduction_kind<sum>} : vector<16xi1> -> vector<16xi32>
      %add3A_389 = arith.addi %add3A_353, %all_reduce_population_count3A_388 : vector<16xi32>
      %add3A_390 = arith.constant 80 : i32
      %add3A_391 = arith.addi %mul3A_215, %add3A_390 : i32
      %get3A_392 = arith.constant 1 : i32
      %get3A_393 = arith.index_cast %get3A_392 : i32 to index
      %get3A_394 = arith.index_cast %shift_right_arithmetic3A_211 : i32 to index
      %get3A_395 = arith.index_cast %and3A_213 : i32 to index
      %get3A_396 = arith.index_cast %add3A_391 : i32 to index
      %get3A_397 = tpu.vector_load %arg5[%get3A_393, %get3A_394, %get3A_395, %get3A_396] {strides = array<i32>} : memref<2x4x8x512xf32, #tpu.memory_space<vmem>>, vector<16xf32>,
      %add3A_398 = arith.constant 80 : i32
      %add3A_399 = arith.addi %mul3A_215, %add3A_398 : i32
      %get3A_400 = arith.constant 1 : i32
      %get3A_401 = arith.index_cast %get3A_400 : i32 to index
      %get3A_402 = arith.index_cast %shift_right_arithmetic3A_211 : i32 to index
      %get3A_403 = arith.index_cast %and3A_213 : i32 to index
      %get3A_404 = arith.index_cast %add3A_399 : i32 to index
      %get3A_405 = tpu.vector_load %arg6[%get3A_401, %get3A_402, %get3A_403, %get3A_404] {strides = array<i32>} : memref<2x4x8x512xf32, #tpu.memory_space<vmem>>, vector<16xf32>,
      %sub3A_406 = arith.subf %get3A_397, %get3A_405 : vector<16xf32>
      %mul3A_407 = arith.mulf %sub3A_406, %sub3A_406 : vector<16xf32>
      %gt3A_408 = arith.constant 0.000000e+00 : f32
      %gt3A_409 = vector.broadcast %gt3A_408 : f32 to vector<16xf32>
      %gt3A_410 = arith.cmpf ogt, %get3A_405, %gt3A_409 : vector<16xf32>
      %gt3A_411 = arith.constant 0.000000e+00 : f32
      %gt3A_412 = vector.broadcast %gt3A_411 : f32 to vector<16xf32>
      %gt3A_413 = arith.cmpf ogt, %get3A_397, %gt3A_412 : vector<16xf32>
      %jit3A_414 = arith.constant 0.000000e+00 : f32
      %broadcast_in_dim3A_415 = vector.broadcast %jit3A_414 : f32 to vector<16xf32>
      %select_n3A_416 = arith.select %gt3A_410, %mul3A_407, %broadcast_in_dim3A_415 : vector<16xi1>, vector<16xf32>
      %add3A_417 = arith.addf %add3A_381, %select_n3A_416 : vector<16xf32>
      %jit3A_418 = arith.constant 0.000000e+00 : f32
      %broadcast_in_dim3A_419 = vector.broadcast %jit3A_418 : f32 to vector<16xf32>
      %select_n3A_420 = arith.select %gt3A_413, %mul3A_407, %broadcast_in_dim3A_419 : vector<16xi1>, vector<16xf32>
      %add3A_421 = arith.addf %add3A_385, %select_n3A_420 : vector<16xf32>
      %all_reduce_population_count3A_422 = tpu.all_reduce %gt3A_410 {dim = 0 : i64, kind = #tpu.reduction_kind<sum>} : vector<16xi1> -> vector<16xi32>
      %add3A_423 = arith.addi %add3A_387, %all_reduce_population_count3A_422 : vector<16xi32>
      %all_reduce_population_count3A_424 = tpu.all_reduce %gt3A_413 {dim = 0 : i64, kind = #tpu.reduction_kind<sum>} : vector<16xi1> -> vector<16xi32>
      %add3A_425 = arith.addi %add3A_389, %all_reduce_population_count3A_424 : vector<16xi32>
      %add3A_426 = arith.constant 96 : i32
      %add3A_427 = arith.addi %mul3A_215, %add3A_426 : i32
      %get3A_428 = arith.constant 1 : i32
      %get3A_429 = arith.index_cast %get3A_428 : i32 to index
      %get3A_430 = arith.index_cast %shift_right_arithmetic3A_211 : i32 to index
      %get3A_431 = arith.index_cast %and3A_213 : i32 to index
      %get3A_432 = arith.index_cast %add3A_427 : i32 to index
      %get3A_433 = tpu.vector_load %arg5[%get3A_429, %get3A_430, %get3A_431, %get3A_432] {strides = array<i32>} : memref<2x4x8x512xf32, #tpu.memory_space<vmem>>, vector<16xf32>,
      %add3A_434 = arith.constant 96 : i32
      %add3A_435 = arith.addi %mul3A_215, %add3A_434 : i32
      %get3A_436 = arith.constant 1 : i32
      %get3A_437 = arith.index_cast %get3A_436 : i32 to index
      %get3A_438 = arith.index_cast %shift_right_arithmetic3A_211 : i32 to index
      %get3A_439 = arith.index_cast %and3A_213 : i32 to index
      %get3A_440 = arith.index_cast %add3A_435 : i32 to index
      %get3A_441 = tpu.vector_load %arg6[%get3A_437, %get3A_438, %get3A_439, %get3A_440] {strides = array<i32>} : memref<2x4x8x512xf32, #tpu.memory_space<vmem>>, vector<16xf32>,
      %sub3A_442 = arith.subf %get3A_433, %get3A_441 : vector<16xf32>
      %mul3A_443 = arith.mulf %sub3A_442, %sub3A_442 : vector<16xf32>
      %gt3A_444 = arith.constant 0.000000e+00 : f32
      %gt3A_445 = vector.broadcast %gt3A_444 : f32 to vector<16xf32>
      %gt3A_446 = arith.cmpf ogt, %get3A_441, %gt3A_445 : vector<16xf32>
      %gt3A_447 = arith.constant 0.000000e+00 : f32
      %gt3A_448 = vector.broadcast %gt3A_447 : f32 to vector<16xf32>
      %gt3A_449 = arith.cmpf ogt, %get3A_433, %gt3A_448 : vector<16xf32>
      %jit3A_450 = arith.constant 0.000000e+00 : f32
      %broadcast_in_dim3A_451 = vector.broadcast %jit3A_450 : f32 to vector<16xf32>
      %select_n3A_452 = arith.select %gt3A_446, %mul3A_443, %broadcast_in_dim3A_451 : vector<16xi1>, vector<16xf32>
      %add3A_453 = arith.addf %add3A_417, %select_n3A_452 : vector<16xf32>
      %jit3A_454 = arith.constant 0.000000e+00 : f32
      %broadcast_in_dim3A_455 = vector.broadcast %jit3A_454 : f32 to vector<16xf32>
      %select_n3A_456 = arith.select %gt3A_449, %mul3A_443, %broadcast_in_dim3A_455 : vector<16xi1>, vector<16xf32>
      %add3A_457 = arith.addf %add3A_421, %select_n3A_456 : vector<16xf32>
      %all_reduce_population_count3A_458 = tpu.all_reduce %gt3A_446 {dim = 0 : i64, kind = #tpu.reduction_kind<sum>} : vector<16xi1> -> vector<16xi32>
      %add3A_459 = arith.addi %add3A_423, %all_reduce_population_count3A_458 : vector<16xi32>
      %all_reduce_population_count3A_460 = tpu.all_reduce %gt3A_449 {dim = 0 : i64, kind = #tpu.reduction_kind<sum>} : vector<16xi1> -> vector<16xi32>
      %add3A_461 = arith.addi %add3A_425, %all_reduce_population_count3A_460 : vector<16xi32>
      %add3A_462 = arith.constant 112 : i32
      %add3A_463 = arith.addi %mul3A_215, %add3A_462 : i32
      %get3A_464 = arith.constant 1 : i32
      %get3A_465 = arith.index_cast %get3A_464 : i32 to index
      %get3A_466 = arith.index_cast %shift_right_arithmetic3A_211 : i32 to index
      %get3A_467 = arith.index_cast %and3A_213 : i32 to index
      %get3A_468 = arith.index_cast %add3A_463 : i32 to index
      %get3A_469 = tpu.vector_load %arg5[%get3A_465, %get3A_466, %get3A_467, %get3A_468] {strides = array<i32>} : memref<2x4x8x512xf32, #tpu.memory_space<vmem>>, vector<16xf32>,
      %add3A_470 = arith.constant 112 : i32
      %add3A_471 = arith.addi %mul3A_215, %add3A_470 : i32
      %get3A_472 = arith.constant 1 : i32
      %get3A_473 = arith.index_cast %get3A_472 : i32 to index
      %get3A_474 = arith.index_cast %shift_right_arithmetic3A_211 : i32 to index
      %get3A_475 = arith.index_cast %and3A_213 : i32 to index
      %get3A_476 = arith.index_cast %add3A_471 : i32 to index
      %get3A_477 = tpu.vector_load %arg6[%get3A_473, %get3A_474, %get3A_475, %get3A_476] {strides = array<i32>} : memref<2x4x8x512xf32, #tpu.memory_space<vmem>>, vector<16xf32>,
      %sub3A_478 = arith.subf %get3A_469, %get3A_477 : vector<16xf32>
      %mul3A_479 = arith.mulf %sub3A_478, %sub3A_478 : vector<16xf32>
      %gt3A_480 = arith.constant 0.000000e+00 : f32
      %gt3A_481 = vector.broadcast %gt3A_480 : f32 to vector<16xf32>
      %gt3A_482 = arith.cmpf ogt, %get3A_477, %gt3A_481 : vector<16xf32>
      %gt3A_483 = arith.constant 0.000000e+00 : f32
      %gt3A_484 = vector.broadcast %gt3A_483 : f32 to vector<16xf32>
      %gt3A_485 = arith.cmpf ogt, %get3A_469, %gt3A_484 : vector<16xf32>
      %jit3A_486 = arith.constant 0.000000e+00 : f32
      %broadcast_in_dim3A_487 = vector.broadcast %jit3A_486 : f32 to vector<16xf32>
      %select_n3A_488 = arith.select %gt3A_482, %mul3A_479, %broadcast_in_dim3A_487 : vector<16xi1>, vector<16xf32>
      %add3A_489 = arith.addf %add3A_453, %select_n3A_488 : vector<16xf32>
      %jit3A_490 = arith.constant 0.000000e+00 : f32
      %broadcast_in_dim3A_491 = vector.broadcast %jit3A_490 : f32 to vector<16xf32>
      %select_n3A_492 = arith.select %gt3A_485, %mul3A_479, %broadcast_in_dim3A_491 : vector<16xi1>, vector<16xf32>
      %add3A_493 = arith.addf %add3A_457, %select_n3A_492 : vector<16xf32>
      %all_reduce_population_count3A_494 = tpu.all_reduce %gt3A_482 {dim = 0 : i64, kind = #tpu.reduction_kind<sum>} : vector<16xi1> -> vector<16xi32>
      %add3A_495 = arith.addi %add3A_459, %all_reduce_population_count3A_494 : vector<16xi32>
      %all_reduce_population_count3A_496 = tpu.all_reduce %gt3A_485 {dim = 0 : i64, kind = #tpu.reduction_kind<sum>} : vector<16xi1> -> vector<16xi32>
      %add3A_497 = arith.addi %add3A_461, %all_reduce_population_count3A_496 : vector<16xi32>
      scf.yield %add3A_489, %add3A_495, %add3A_493, %add3A_497 : vector<16xf32>, vector<16xi32>, vector<16xf32>, vector<16xi32>
    }
    %scan3A_177 = arith.constant 128 : i32
    %add3A_178 = arith.constant 2 : i32
    %add3A_179 = arith.addi %add3A_133, %add3A_178 : i32
    %lt3A_180 = arith.constant 2 : i32
    %lt3A_181 = arith.cmpi slt, %add3A_179, %lt3A_180 : i32
    %convert_element_type3A_182 = arith.extui %lt3A_181 : i1 to i32
    %cond3A_183 = arith.constant 0 : i32
    %cond3A_184 = arith.cmpi ne, %convert_element_type3A_182, %cond3A_183 : i32
    scf.if %cond3A_184 {
      %mul3A_203 = arith.constant 4 : i32
      %mul3A_204 = arith.muli %add3A_179, %mul3A_203 : i32
      %add3A_205 = arith.addi %add3A_4, %mul3A_204 : i32
      %dma_start3A_206 = arith.constant 1 : i32
      %dma_start3A_207 = arith.constant 0 : i32
      %dma_start3A_208 = arith.constant 0 : i32
      %dma_start3A_209 = arith.constant 0 : i32
      %dma_start3A_210 = tpu.memref_slice %arg5[%dma_start3A_206, %dma_start3A_207, %dma_start3A_208, %dma_start3A_209] : memref<2x4x8x512xf32, #tpu.memory_space<vmem>> -> memref<1x4x8x512xf32, #tpu.memory_space<vmem>>
      %dma_start3A_211 = tpu.memref_squeeze %dma_start3A_210 : memref<1x4x8x512xf32, #tpu.memory_space<vmem>> -> memref<4x8x512xf32, #tpu.memory_space<vmem>>
      %dma_start3A_212 = arith.constant 0 : i32
      %dma_start3A_213 = arith.constant 0 : i32
      %dma_start3A_214 = tpu.memref_slice %arg2[%add3A_205, %dma_start3A_212, %dma_start3A_213] : memref<1024x8x512xf32, #tpu.memory_space<hbm>> -> memref<4x8x512xf32, #tpu.memory_space<hbm>>
      %dma_start3A_215 = arith.constant 0 : i32
      %dma_start3A_216 = arith.constant 0 : i32
      %dma_start3A_217 = arith.constant 0 : i32
      %dma_start3A_218 = tpu.memref_slice %arg5[%dma_start3A_206, %dma_start3A_215, %dma_start3A_216, %dma_start3A_217] : memref<2x4x8x512xf32, #tpu.memory_space<vmem>> -> memref<1x4x8x512xf32, #tpu.memory_space<vmem>>
      %dma_start3A_219 = tpu.memref_squeeze %dma_start3A_218 : memref<1x4x8x512xf32, #tpu.memory_space<vmem>> -> memref<4x8x512xf32, #tpu.memory_space<vmem>>
      %dma_start3A_220 = arith.constant 0 : i32
      %dma_start3A_221 = arith.constant 0 : i32
      %dma_start3A_222 = tpu.memref_slice %arg2[%add3A_205, %dma_start3A_220, %dma_start3A_221] : memref<1024x8x512xf32, #tpu.memory_space<hbm>> -> memref<4x8x512xf32, #tpu.memory_space<hbm>>
      tpu.enqueue_dma source(%dma_start3A_222 : memref<4x8x512xf32, #tpu.memory_space<hbm>>) target(%dma_start3A_219 : memref<4x8x512xf32, #tpu.memory_space<vmem>>) target_semaphore(%arg9 : memref<!tpu.dma_semaphore, #tpu.memory_space<semaphore_mem>>)
      %dma_start3A_223 = arith.constant 1 : i32
      %dma_start3A_224 = arith.constant 0 : i32
      %dma_start3A_225 = arith.constant 0 : i32
      %dma_start3A_226 = arith.constant 0 : i32
      %dma_start3A_227 = tpu.memref_slice %arg6[%dma_start3A_223, %dma_start3A_224, %dma_start3A_225, %dma_start3A_226] : memref<2x4x8x512xf32, #tpu.memory_space<vmem>> -> memref<1x4x8x512xf32, #tpu.memory_space<vmem>>
      %dma_start3A_228 = tpu.memref_squeeze %dma_start3A_227 : memref<1x4x8x512xf32, #tpu.memory_space<vmem>> -> memref<4x8x512xf32, #tpu.memory_space<vmem>>
      %dma_start3A_229 = arith.constant 0 : i32
      %dma_start3A_230 = arith.constant 0 : i32
      %dma_start3A_231 = tpu.memref_slice %arg3[%add3A_205, %dma_start3A_229, %dma_start3A_230] : memref<1024x8x512xf32, #tpu.memory_space<hbm>> -> memref<4x8x512xf32, #tpu.memory_space<hbm>>
      %dma_start3A_232 = arith.constant 0 : i32
      %dma_start3A_233 = arith.constant 0 : i32
      %dma_start3A_234 = arith.constant 0 : i32
      %dma_start3A_235 = tpu.memref_slice %arg6[%dma_start3A_223, %dma_start3A_232, %dma_start3A_233, %dma_start3A_234] : memref<2x4x8x512xf32, #tpu.memory_space<vmem>> -> memref<1x4x8x512xf32, #tpu.memory_space<vmem>>
      %dma_start3A_236 = tpu.memref_squeeze %dma_start3A_235 : memref<1x4x8x512xf32, #tpu.memory_space<vmem>> -> memref<4x8x512xf32, #tpu.memory_space<vmem>>
      %dma_start3A_237 = arith.constant 0 : i32
      %dma_start3A_238 = arith.constant 0 : i32
      %dma_start3A_239 = tpu.memref_slice %arg3[%add3A_205, %dma_start3A_237, %dma_start3A_238] : memref<1024x8x512xf32, #tpu.memory_space<hbm>> -> memref<4x8x512xf32, #tpu.memory_space<hbm>>
      tpu.enqueue_dma source(%dma_start3A_239 : memref<4x8x512xf32, #tpu.memory_space<hbm>>) target(%dma_start3A_236 : memref<4x8x512xf32, #tpu.memory_space<vmem>>) target_semaphore(%arg11 : memref<!tpu.dma_semaphore, #tpu.memory_space<semaphore_mem>>)
    } else {
    }
    %scan3A_185 = arith.constant 1 : i32
    %swap3A = arith.constant 0 : i32
    %swap3A_186 = arith.index_cast %swap3A : i32 to index
    %swap3A_187 = arith.constant 0 : index
    %swap3A_188 = tpu.vector_load %arg7[%swap3A_186, %swap3A_187] {strides = array<i32>} : memref<4x16xf32, #tpu.memory_space<vmem>>, vector<16xf32>,
    tpu.vector_store %arg7[%swap3A_186, %swap3A_187], %scan3A_176#0 {strides = array<i32>} : memref<4x16xf32, #tpu.memory_space<vmem>>, vector<16xf32>,
    %convert_element_type3A_189 = arith.sitofp %scan3A_176#1 : vector<16xi32> to vector<16xf32>
    %swap3A_190 = arith.constant 1 : i32
    %swap3A_191 = arith.index_cast %swap3A_190 : i32 to index
    %swap3A_192 = arith.constant 0 : index
    %swap3A_193 = tpu.vector_load %arg7[%swap3A_191, %swap3A_192] {strides = array<i32>} : memref<4x16xf32, #tpu.memory_space<vmem>>, vector<16xf32>,
    tpu.vector_store %arg7[%swap3A_191, %swap3A_192], %convert_element_type3A_189 {strides = array<i32>} : memref<4x16xf32, #tpu.memory_space<vmem>>, vector<16xf32>,
    %swap3A_194 = arith.constant 2 : i32
    %swap3A_195 = arith.index_cast %swap3A_194 : i32 to index
    %swap3A_196 = arith.constant 0 : index
    %swap3A_197 = tpu.vector_load %arg7[%swap3A_195, %swap3A_196] {strides = array<i32>} : memref<4x16xf32, #tpu.memory_space<vmem>>, vector<16xf32>,
    tpu.vector_store %arg7[%swap3A_195, %swap3A_196], %scan3A_176#2 {strides = array<i32>} : memref<4x16xf32, #tpu.memory_space<vmem>>, vector<16xf32>,
    %convert_element_type3A_198 = arith.sitofp %scan3A_176#3 : vector<16xi32> to vector<16xf32>
    %swap3A_199 = arith.constant 3 : i32
    %swap3A_200 = arith.index_cast %swap3A_199 : i32 to index
    %swap3A_201 = arith.constant 0 : index
    %swap3A_202 = tpu.vector_load %arg7[%swap3A_200, %swap3A_201] {strides = array<i32>} : memref<4x16xf32, #tpu.memory_space<vmem>>, vector<16xf32>,
    tpu.vector_store %arg7[%swap3A_200, %swap3A_201], %convert_element_type3A_198 {strides = array<i32>} : memref<4x16xf32, #tpu.memory_space<vmem>>, vector<16xf32>,
    "tpu.region"() ({
      %run_scoped3A = tpu.sem_alloc : memref<!tpu.dma_semaphore, #tpu.memory_space<semaphore_mem>>
      %dma_start3A_203 = arith.constant 0 : i32
      %dma_start3A_204 = arith.constant 0 : i32
      %dma_start3A_205 = tpu.memref_slice %arg4[%add3A, %dma_start3A_203, %dma_start3A_204] : memref<32x4x16xf32, #tpu.memory_space<hbm>> -> memref<1x4x16xf32, #tpu.memory_space<hbm>>
      %dma_start3A_206 = tpu.memref_squeeze %dma_start3A_205 : memref<1x4x16xf32, #tpu.memory_space<hbm>> -> memref<4x16xf32, #tpu.memory_space<hbm>>
      %dma_start3A_207 = arith.constant 0 : i32
      %dma_start3A_208 = arith.constant 0 : i32
      %dma_start3A_209 = tpu.memref_slice %arg4[%add3A, %dma_start3A_207, %dma_start3A_208] : memref<32x4x16xf32, #tpu.memory_space<hbm>> -> memref<1x4x16xf32, #tpu.memory_space<hbm>>
      %dma_start3A_210 = tpu.memref_squeeze %dma_start3A_209 : memref<1x4x16xf32, #tpu.memory_space<hbm>> -> memref<4x16xf32, #tpu.memory_space<hbm>>
      tpu.enqueue_dma source(%arg7 : memref<4x16xf32, #tpu.memory_space<vmem>>) target(%dma_start3A_210 : memref<4x16xf32, #tpu.memory_space<hbm>>) target_semaphore(%run_scoped3A : memref<!tpu.dma_semaphore, #tpu.memory_space<semaphore_mem>>)
      %dma_wait3A_211 = arith.constant 0 : i32
      %dma_wait3A_212 = arith.constant 0 : i32
      %dma_wait3A_213 = tpu.memref_slice %arg4[%add3A, %dma_wait3A_211, %dma_wait3A_212] : memref<32x4x16xf32, #tpu.memory_space<hbm>> -> memref<1x4x16xf32, #tpu.memory_space<hbm>>
      %dma_wait3A_214 = tpu.memref_squeeze %dma_wait3A_213 : memref<1x4x16xf32, #tpu.memory_space<hbm>> -> memref<4x16xf32, #tpu.memory_space<hbm>>
      %dma_wait3A_215 = arith.constant 0 : i32
      %dma_wait3A_216 = arith.constant 0 : i32
      %dma_wait3A_217 = tpu.memref_slice %arg4[%add3A, %dma_wait3A_215, %dma_wait3A_216] : memref<32x4x16xf32, #tpu.memory_space<hbm>> -> memref<1x4x16xf32, #tpu.memory_space<hbm>>
      %dma_wait3A_218 = tpu.memref_squeeze %dma_wait3A_217 : memref<1x4x16xf32, #tpu.memory_space<hbm>> -> memref<4x16xf32, #tpu.memory_space<hbm>>
      tpu.wait_dma2 semaphore(%run_scoped3A : memref<!tpu.dma_semaphore, #tpu.memory_space<semaphore_mem>>) src(%arg7 : memref<4x16xf32, #tpu.memory_space<vmem>>) dst(%dma_wait3A_218 : memref<4x16xf32, #tpu.memory_space<hbm>>)
      tpu.yield
    }) : () -> ()
    return
  }
}

module attributes {stable_mosaic.version = 14 : i64} {
  func.func @_tc_body(%arg0: i32, %arg1: memref<512x512xf32, #tpu.memory_space<vmem>>, %arg2: memref<512x512xf32, #tpu.memory_space<vmem>>, %arg3: memref<4x512xf32, #tpu.memory_space<vmem>>) attributes {dimension_semantics = [#tpu.dimension_semantics<arbitrary>], iteration_bounds = array<i64: 12>, scalar_prefetch = 0 : i64, scratch_operands = 0 : i64, tpu.core_type = #tpu.core_type<tc>, window_params = [{transform_indices = @transform_0, window_bounds = array<i64: 512, 512>}, {transform_indices = @transform_1, window_bounds = array<i64: 512, 512>}, {pipeline_mode = #tpu.pipeline_mode<synchronous>, transform_indices = @transform_2, window_bounds = array<i64: 4, 512>}]} {
    %eq3A = arith.constant 0 : i32
    %eq3A_0 = arith.cmpi eq, %arg0, %eq3A : i32
    %convert_element_type3A = arith.extui %eq3A_0 : i1 to i32
    %cond3A = arith.constant 0 : i32
    %cond3A_1 = arith.cmpi ne, %convert_element_type3A, %cond3A : i32
    scf.if %cond3A_1 {
      %broadcast_in_dim3A_62 = arith.constant 0.000000e+00 : f32
      %broadcast_in_dim3A_63 = vector.broadcast %broadcast_in_dim3A_62 : f32 to vector<4x512xf32>
      %swap3A_64 = arith.constant 0 : index
      %swap3A_65 = arith.constant 0 : index
      %swap3A_66 = vector.load %arg3[%swap3A_64, %swap3A_65] : memref<4x512xf32, #tpu.memory_space<vmem>>, vector<4x512xf32>
      tpu.vector_store %arg3[%swap3A_64, %swap3A_65], %broadcast_in_dim3A_63 {strides = array<i32>} : memref<4x512xf32, #tpu.memory_space<vmem>>, vector<4x512xf32>,
    } else {
    }
    %get3A = arith.constant 0 : index
    %get3A_2 = arith.constant 0 : index
    %get3A_3 = vector.load %arg1[%get3A, %get3A_2] : memref<512x512xf32, #tpu.memory_space<vmem>>, vector<512x512xf32>
    %get3A_4 = arith.constant 0 : index
    %get3A_5 = arith.constant 0 : index
    %get3A_6 = vector.load %arg2[%get3A_4, %get3A_5] : memref<512x512xf32, #tpu.memory_space<vmem>>, vector<512x512xf32>
    %sub3A = arith.subf %get3A_3, %get3A_6 : vector<512x512xf32>
    %mul3A = arith.mulf %sub3A, %sub3A : vector<512x512xf32>
    %gt3A = arith.constant 0.000000e+00 : f32
    %gt3A_7 = vector.broadcast %gt3A : f32 to vector<512x512xf32>
    %gt3A_8 = arith.cmpf ogt, %get3A_6, %gt3A_7 : vector<512x512xf32>
    %gt3A_9 = arith.constant 0.000000e+00 : f32
    %gt3A_10 = vector.broadcast %gt3A_9 : f32 to vector<512x512xf32>
    %gt3A_11 = arith.cmpf ogt, %get3A_3, %gt3A_10 : vector<512x512xf32>
    %get3A_12 = arith.constant 0 : index
    %get3A_13 = arith.constant 0 : index
    %get3A_14 = vector.load %arg3[%get3A_12, %get3A_13] : memref<4x512xf32, #tpu.memory_space<vmem>>, vector<1x512xf32>
    %jit3A = arith.constant 0.000000e+00 : f32
    %broadcast_in_dim3A = vector.broadcast %jit3A : f32 to vector<512x512xf32>
    %select_n3A = arith.select %gt3A_8, %mul3A, %broadcast_in_dim3A : vector<512x512xi1>, vector<512x512xf32>
    %reduce_sum3A = arith.constant dense<0.000000e+00> : vector<512xf32>
    %reduce_sum3A_15 = vector.multi_reduction <add>, %select_n3A, %reduce_sum3A [0] : vector<512x512xf32> to vector<512xf32>
    %broadcast_in_dim3A_16 = vector.shape_cast %reduce_sum3A_15 : vector<512xf32> to vector<1x512xf32>
    %add3A = arith.addf %get3A_14, %broadcast_in_dim3A_16 : vector<1x512xf32>
    %swap3A = arith.constant 0 : index
    %swap3A_17 = arith.constant 0 : index
    %swap3A_18 = vector.load %arg3[%swap3A, %swap3A_17] : memref<4x512xf32, #tpu.memory_space<vmem>>, vector<1x512xf32>
    tpu.vector_store %arg3[%swap3A, %swap3A_17], %add3A {strides = array<i32>} : memref<4x512xf32, #tpu.memory_space<vmem>>, vector<1x512xf32>,
    %get3A_19 = arith.constant 1 : index
    %get3A_20 = arith.constant 0 : index
    %get3A_21 = vector.load %arg3[%get3A_19, %get3A_20] : memref<4x512xf32, #tpu.memory_space<vmem>>, vector<1x512xf32>
    %jit3A_22 = arith.constant 1.000000e+00 : f32
    %jit3A_23 = arith.constant 0.000000e+00 : f32
    %broadcast_in_dim3A_24 = vector.broadcast %jit3A_22 : f32 to vector<512x512xf32>
    %broadcast_in_dim3A_25 = vector.broadcast %jit3A_23 : f32 to vector<512x512xf32>
    %select_n3A_26 = arith.select %gt3A_8, %broadcast_in_dim3A_24, %broadcast_in_dim3A_25 : vector<512x512xi1>, vector<512x512xf32>
    %reduce_sum3A_27 = arith.constant dense<0.000000e+00> : vector<512xf32>
    %reduce_sum3A_28 = vector.multi_reduction <add>, %select_n3A_26, %reduce_sum3A_27 [0] : vector<512x512xf32> to vector<512xf32>
    %broadcast_in_dim3A_29 = vector.shape_cast %reduce_sum3A_28 : vector<512xf32> to vector<1x512xf32>
    %add3A_30 = arith.addf %get3A_21, %broadcast_in_dim3A_29 : vector<1x512xf32>
    %swap3A_31 = arith.constant 1 : index
    %swap3A_32 = arith.constant 0 : index
    %swap3A_33 = vector.load %arg3[%swap3A_31, %swap3A_32] : memref<4x512xf32, #tpu.memory_space<vmem>>, vector<1x512xf32>
    tpu.vector_store %arg3[%swap3A_31, %swap3A_32], %add3A_30 {strides = array<i32>} : memref<4x512xf32, #tpu.memory_space<vmem>>, vector<1x512xf32>,
    %get3A_34 = arith.constant 2 : index
    %get3A_35 = arith.constant 0 : index
    %get3A_36 = vector.load %arg3[%get3A_34, %get3A_35] : memref<4x512xf32, #tpu.memory_space<vmem>>, vector<1x512xf32>
    %jit3A_37 = arith.constant 0.000000e+00 : f32
    %broadcast_in_dim3A_38 = vector.broadcast %jit3A_37 : f32 to vector<512x512xf32>
    %select_n3A_39 = arith.select %gt3A_11, %mul3A, %broadcast_in_dim3A_38 : vector<512x512xi1>, vector<512x512xf32>
    %reduce_sum3A_40 = arith.constant dense<0.000000e+00> : vector<512xf32>
    %reduce_sum3A_41 = vector.multi_reduction <add>, %select_n3A_39, %reduce_sum3A_40 [0] : vector<512x512xf32> to vector<512xf32>
    %broadcast_in_dim3A_42 = vector.shape_cast %reduce_sum3A_41 : vector<512xf32> to vector<1x512xf32>
    %add3A_43 = arith.addf %get3A_36, %broadcast_in_dim3A_42 : vector<1x512xf32>
    %swap3A_44 = arith.constant 2 : index
    %swap3A_45 = arith.constant 0 : index
    %swap3A_46 = vector.load %arg3[%swap3A_44, %swap3A_45] : memref<4x512xf32, #tpu.memory_space<vmem>>, vector<1x512xf32>
    tpu.vector_store %arg3[%swap3A_44, %swap3A_45], %add3A_43 {strides = array<i32>} : memref<4x512xf32, #tpu.memory_space<vmem>>, vector<1x512xf32>,
    %get3A_47 = arith.constant 3 : index
    %get3A_48 = arith.constant 0 : index
    %get3A_49 = vector.load %arg3[%get3A_47, %get3A_48] : memref<4x512xf32, #tpu.memory_space<vmem>>, vector<1x512xf32>
    %jit3A_50 = arith.constant 1.000000e+00 : f32
    %jit3A_51 = arith.constant 0.000000e+00 : f32
    %broadcast_in_dim3A_52 = vector.broadcast %jit3A_50 : f32 to vector<512x512xf32>
    %broadcast_in_dim3A_53 = vector.broadcast %jit3A_51 : f32 to vector<512x512xf32>
    %select_n3A_54 = arith.select %gt3A_11, %broadcast_in_dim3A_52, %broadcast_in_dim3A_53 : vector<512x512xi1>, vector<512x512xf32>
    %reduce_sum3A_55 = arith.constant dense<0.000000e+00> : vector<512xf32>
    %reduce_sum3A_56 = vector.multi_reduction <add>, %select_n3A_54, %reduce_sum3A_55 [0] : vector<512x512xf32> to vector<512xf32>
    %broadcast_in_dim3A_57 = vector.shape_cast %reduce_sum3A_56 : vector<512xf32> to vector<1x512xf32>
    %add3A_58 = arith.addf %get3A_49, %broadcast_in_dim3A_57 : vector<1x512xf32>
    %swap3A_59 = arith.constant 3 : index
    %swap3A_60 = arith.constant 0 : index
    %swap3A_61 = vector.load %arg3[%swap3A_59, %swap3A_60] : memref<4x512xf32, #tpu.memory_space<vmem>>, vector<1x512xf32>
    tpu.vector_store %arg3[%swap3A_59, %swap3A_60], %add3A_58 {strides = array<i32>} : memref<4x512xf32, #tpu.memory_space<vmem>>, vector<1x512xf32>,
    return
  }
  func.func @transform_0(%arg0: i32) -> (i32, i32) {
    %c0_i32 = arith.constant 0 : i32
    %c0_i32_0 = arith.constant 0 : i32
    return %arg0, %c0_i32 : i32, i32
  }
  func.func @transform_1(%arg0: i32) -> (i32, i32) {
    %c0_i32 = arith.constant 0 : i32
    %c0_i32_0 = arith.constant 0 : i32
    return %arg0, %c0_i32 : i32, i32
  }
  func.func @transform_2(%arg0: i32) -> (i32, i32) {
    %c0_i32 = arith.constant 0 : i32
    %c0_i32_0 = arith.constant 0 : i32
    %c0_i32_1 = arith.constant 0 : i32
    return %c0_i32, %c0_i32_0 : i32, i32
  }
}

module attributes {stable_mosaic.version = 14 : i64} {
  func.func @_finish_body(%arg0: memref<4x512xf32, #tpu.memory_space<vmem>>, %arg1: memref<32x4x16xf32, #tpu.memory_space<vmem>>, %arg2: memref<1x128xf32, #tpu.memory_space<vmem>>) attributes {dimension_semantics = [], scalar_prefetch = 0 : i64, scratch_operands = 0 : i64, tpu.core_type = #tpu.core_type<tc>} {
    %get3A = arith.constant 0 : index
    %get3A_0 = arith.constant 0 : index
    %get3A_1 = vector.load %arg0[%get3A, %get3A_0] : memref<4x512xf32, #tpu.memory_space<vmem>>, vector<4x512xf32>
    %get3A_2 = arith.constant 0 : index
    %get3A_3 = arith.constant 0 : index
    %get3A_4 = arith.constant 0 : index
    %get3A_5 = vector.load %arg1[%get3A_2, %get3A_3, %get3A_4] : memref<32x4x16xf32, #tpu.memory_space<vmem>>, vector<32x4x16xf32>
    %iota3A = tpu.iota {dimensions = array<i32: 0>} : vector<4x512xi32>
    %iota3A_6 = tpu.iota {dimensions = array<i32: 1>} : vector<32x4x16xi32>
    %eq3A = arith.constant 0 : i32
    %eq3A_7 = vector.broadcast %eq3A : i32 to vector<4x512xi32>
    %eq3A_8 = arith.cmpi eq, %iota3A, %eq3A_7 : vector<4x512xi32>
    %jit3A = arith.constant 0.000000e+00 : f32
    %broadcast_in_dim3A = vector.broadcast %jit3A : f32 to vector<4x512xf32>
    %select_n3A = arith.select %eq3A_8, %get3A_1, %broadcast_in_dim3A : vector<4x512xi1>, vector<4x512xf32>
    %reduce_sum3A = vector.shape_cast %select_n3A : vector<4x512xf32> to vector<1x4x512xf32>
    %reduce_sum3A_9 = arith.constant dense<0.000000e+00> : vector<1xf32>
    %reduce_sum3A_10 = vector.multi_reduction <add>, %reduce_sum3A, %reduce_sum3A_9 [1, 2] : vector<1x4x512xf32> to vector<1xf32>
    %reduce_sum3A_11 = vector.shape_cast %reduce_sum3A_10 : vector<1xf32> to vector<1x1x1xf32>
    %reduce_sum3A_12 = vector.extract %reduce_sum3A_11[0, 0, 0] : f32 from vector<1x1x1xf32>
    %eq3A_13 = arith.constant 0 : i32
    %eq3A_14 = vector.broadcast %eq3A_13 : i32 to vector<32x4x16xi32>
    %eq3A_15 = arith.cmpi eq, %iota3A_6, %eq3A_14 : vector<32x4x16xi32>
    %jit3A_16 = arith.constant 0.000000e+00 : f32
    %broadcast_in_dim3A_17 = vector.broadcast %jit3A_16 : f32 to vector<32x4x16xf32>
    %select_n3A_18 = arith.select %eq3A_15, %get3A_5, %broadcast_in_dim3A_17 : vector<32x4x16xi1>, vector<32x4x16xf32>
    %reduce_sum3A_19 = vector.shape_cast %select_n3A_18 : vector<32x4x16xf32> to vector<1x32x4x16xf32>
    %reduce_sum3A_20 = arith.constant dense<0.000000e+00> : vector<1xf32>
    %reduce_sum3A_21 = vector.multi_reduction <add>, %reduce_sum3A_19, %reduce_sum3A_20 [1, 2, 3] : vector<1x32x4x16xf32> to vector<1xf32>
    %reduce_sum3A_22 = vector.shape_cast %reduce_sum3A_21 : vector<1xf32> to vector<1x1x1x1xf32>
    %reduce_sum3A_23 = vector.extract %reduce_sum3A_22[0, 0, 0, 0] : f32 from vector<1x1x1x1xf32>
    %add3A = arith.addf %reduce_sum3A_12, %reduce_sum3A_23 : f32
    %eq3A_24 = arith.constant 1 : i32
    %eq3A_25 = vector.broadcast %eq3A_24 : i32 to vector<4x512xi32>
    %eq3A_26 = arith.cmpi eq, %iota3A, %eq3A_25 : vector<4x512xi32>
    %jit3A_27 = arith.constant 0.000000e+00 : f32
    %broadcast_in_dim3A_28 = vector.broadcast %jit3A_27 : f32 to vector<4x512xf32>
    %select_n3A_29 = arith.select %eq3A_26, %get3A_1, %broadcast_in_dim3A_28 : vector<4x512xi1>, vector<4x512xf32>
    %reduce_sum3A_30 = vector.shape_cast %select_n3A_29 : vector<4x512xf32> to vector<1x4x512xf32>
    %reduce_sum3A_31 = arith.constant dense<0.000000e+00> : vector<1xf32>
    %reduce_sum3A_32 = vector.multi_reduction <add>, %reduce_sum3A_30, %reduce_sum3A_31 [1, 2] : vector<1x4x512xf32> to vector<1xf32>
    %reduce_sum3A_33 = vector.shape_cast %reduce_sum3A_32 : vector<1xf32> to vector<1x1x1xf32>
    %reduce_sum3A_34 = vector.extract %reduce_sum3A_33[0, 0, 0] : f32 from vector<1x1x1xf32>
    %eq3A_35 = arith.constant 1 : i32
    %eq3A_36 = vector.broadcast %eq3A_35 : i32 to vector<32x4x16xi32>
    %eq3A_37 = arith.cmpi eq, %iota3A_6, %eq3A_36 : vector<32x4x16xi32>
    %jit3A_38 = arith.constant 0.000000e+00 : f32
    %broadcast_in_dim3A_39 = vector.broadcast %jit3A_38 : f32 to vector<32x4x16xf32>
    %select_n3A_40 = arith.select %eq3A_37, %get3A_5, %broadcast_in_dim3A_39 : vector<32x4x16xi1>, vector<32x4x16xf32>
    %reduce_sum3A_41 = vector.shape_cast %select_n3A_40 : vector<32x4x16xf32> to vector<1x32x4x16xf32>
    %reduce_sum3A_42 = arith.constant dense<0.000000e+00> : vector<1xf32>
    %reduce_sum3A_43 = vector.multi_reduction <add>, %reduce_sum3A_41, %reduce_sum3A_42 [1, 2, 3] : vector<1x32x4x16xf32> to vector<1xf32>
    %reduce_sum3A_44 = vector.shape_cast %reduce_sum3A_43 : vector<1xf32> to vector<1x1x1x1xf32>
    %reduce_sum3A_45 = vector.extract %reduce_sum3A_44[0, 0, 0, 0] : f32 from vector<1x1x1x1xf32>
    %mul3A = arith.constant 6.250000e-02 : f32
    %mul3A_46 = arith.mulf %reduce_sum3A_45, %mul3A : f32
    %add3A_47 = arith.addf %reduce_sum3A_34, %mul3A_46 : f32
    %eq3A_48 = arith.constant 2 : i32
    %eq3A_49 = vector.broadcast %eq3A_48 : i32 to vector<4x512xi32>
    %eq3A_50 = arith.cmpi eq, %iota3A, %eq3A_49 : vector<4x512xi32>
    %jit3A_51 = arith.constant 0.000000e+00 : f32
    %broadcast_in_dim3A_52 = vector.broadcast %jit3A_51 : f32 to vector<4x512xf32>
    %select_n3A_53 = arith.select %eq3A_50, %get3A_1, %broadcast_in_dim3A_52 : vector<4x512xi1>, vector<4x512xf32>
    %reduce_sum3A_54 = vector.shape_cast %select_n3A_53 : vector<4x512xf32> to vector<1x4x512xf32>
    %reduce_sum3A_55 = arith.constant dense<0.000000e+00> : vector<1xf32>
    %reduce_sum3A_56 = vector.multi_reduction <add>, %reduce_sum3A_54, %reduce_sum3A_55 [1, 2] : vector<1x4x512xf32> to vector<1xf32>
    %reduce_sum3A_57 = vector.shape_cast %reduce_sum3A_56 : vector<1xf32> to vector<1x1x1xf32>
    %reduce_sum3A_58 = vector.extract %reduce_sum3A_57[0, 0, 0] : f32 from vector<1x1x1xf32>
    %eq3A_59 = arith.constant 2 : i32
    %eq3A_60 = vector.broadcast %eq3A_59 : i32 to vector<32x4x16xi32>
    %eq3A_61 = arith.cmpi eq, %iota3A_6, %eq3A_60 : vector<32x4x16xi32>
    %jit3A_62 = arith.constant 0.000000e+00 : f32
    %broadcast_in_dim3A_63 = vector.broadcast %jit3A_62 : f32 to vector<32x4x16xf32>
    %select_n3A_64 = arith.select %eq3A_61, %get3A_5, %broadcast_in_dim3A_63 : vector<32x4x16xi1>, vector<32x4x16xf32>
    %reduce_sum3A_65 = vector.shape_cast %select_n3A_64 : vector<32x4x16xf32> to vector<1x32x4x16xf32>
    %reduce_sum3A_66 = arith.constant dense<0.000000e+00> : vector<1xf32>
    %reduce_sum3A_67 = vector.multi_reduction <add>, %reduce_sum3A_65, %reduce_sum3A_66 [1, 2, 3] : vector<1x32x4x16xf32> to vector<1xf32>
    %reduce_sum3A_68 = vector.shape_cast %reduce_sum3A_67 : vector<1xf32> to vector<1x1x1x1xf32>
    %reduce_sum3A_69 = vector.extract %reduce_sum3A_68[0, 0, 0, 0] : f32 from vector<1x1x1x1xf32>
    %add3A_70 = arith.addf %reduce_sum3A_58, %reduce_sum3A_69 : f32
    %eq3A_71 = arith.constant 3 : i32
    %eq3A_72 = vector.broadcast %eq3A_71 : i32 to vector<4x512xi32>
    %eq3A_73 = arith.cmpi eq, %iota3A, %eq3A_72 : vector<4x512xi32>
    %jit3A_74 = arith.constant 0.000000e+00 : f32
    %broadcast_in_dim3A_75 = vector.broadcast %jit3A_74 : f32 to vector<4x512xf32>
    %select_n3A_76 = arith.select %eq3A_73, %get3A_1, %broadcast_in_dim3A_75 : vector<4x512xi1>, vector<4x512xf32>
    %reduce_sum3A_77 = vector.shape_cast %select_n3A_76 : vector<4x512xf32> to vector<1x4x512xf32>
    %reduce_sum3A_78 = arith.constant dense<0.000000e+00> : vector<1xf32>
    %reduce_sum3A_79 = vector.multi_reduction <add>, %reduce_sum3A_77, %reduce_sum3A_78 [1, 2] : vector<1x4x512xf32> to vector<1xf32>
    %reduce_sum3A_80 = vector.shape_cast %reduce_sum3A_79 : vector<1xf32> to vector<1x1x1xf32>
    %reduce_sum3A_81 = vector.extract %reduce_sum3A_80[0, 0, 0] : f32 from vector<1x1x1xf32>
    %eq3A_82 = arith.constant 3 : i32
    %eq3A_83 = vector.broadcast %eq3A_82 : i32 to vector<32x4x16xi32>
    %eq3A_84 = arith.cmpi eq, %iota3A_6, %eq3A_83 : vector<32x4x16xi32>
    %jit3A_85 = arith.constant 0.000000e+00 : f32
    %broadcast_in_dim3A_86 = vector.broadcast %jit3A_85 : f32 to vector<32x4x16xf32>
    %select_n3A_87 = arith.select %eq3A_84, %get3A_5, %broadcast_in_dim3A_86 : vector<32x4x16xi1>, vector<32x4x16xf32>
    %reduce_sum3A_88 = vector.shape_cast %select_n3A_87 : vector<32x4x16xf32> to vector<1x32x4x16xf32>
    %reduce_sum3A_89 = arith.constant dense<0.000000e+00> : vector<1xf32>
    %reduce_sum3A_90 = vector.multi_reduction <add>, %reduce_sum3A_88, %reduce_sum3A_89 [1, 2, 3] : vector<1x32x4x16xf32> to vector<1xf32>
    %reduce_sum3A_91 = vector.shape_cast %reduce_sum3A_90 : vector<1xf32> to vector<1x1x1x1xf32>
    %reduce_sum3A_92 = vector.extract %reduce_sum3A_91[0, 0, 0, 0] : f32 from vector<1x1x1x1xf32>
    %mul3A_93 = arith.constant 6.250000e-02 : f32
    %mul3A_94 = arith.mulf %reduce_sum3A_92, %mul3A_93 : f32
    %add3A_95 = arith.addf %reduce_sum3A_81, %mul3A_94 : f32
    %div3A = arith.divf %add3A, %add3A_47 : f32
    %div3A_96 = arith.divf %add3A_70, %add3A_95 : f32
    %add3A_97 = arith.addf %div3A, %div3A_96 : f32
    %iota3A_98 = tpu.iota {dimensions = array<i32: 1>} : vector<1x128xi32>
    %eq3A_99 = arith.constant 0 : i32
    %eq3A_100 = vector.broadcast %eq3A_99 : i32 to vector<1x128xi32>
    %eq3A_101 = arith.cmpi eq, %iota3A_98, %eq3A_100 : vector<1x128xi32>
    %eq3A_102 = arith.constant 1 : i32
    %eq3A_103 = vector.broadcast %eq3A_102 : i32 to vector<1x128xi32>
    %eq3A_104 = arith.cmpi eq, %iota3A_98, %eq3A_103 : vector<1x128xi32>
    %eq3A_105 = arith.constant 2 : i32
    %eq3A_106 = vector.broadcast %eq3A_105 : i32 to vector<1x128xi32>
    %eq3A_107 = arith.cmpi eq, %iota3A_98, %eq3A_106 : vector<1x128xi32>
    %jit3A_108 = arith.constant 0.000000e+00 : f32
    %broadcast_in_dim3A_109 = vector.broadcast %div3A_96 : f32 to vector<1x128xf32>
    %broadcast_in_dim3A_110 = vector.broadcast %jit3A_108 : f32 to vector<1x128xf32>
    %select_n3A_111 = arith.select %eq3A_107, %broadcast_in_dim3A_109, %broadcast_in_dim3A_110 : vector<1x128xi1>, vector<1x128xf32>
    %broadcast_in_dim3A_112 = vector.broadcast %div3A : f32 to vector<1x128xf32>
    %select_n3A_113 = arith.select %eq3A_104, %broadcast_in_dim3A_112, %select_n3A_111 : vector<1x128xi1>, vector<1x128xf32>
    %broadcast_in_dim3A_114 = vector.broadcast %add3A_97 : f32 to vector<1x128xf32>
    %select_n3A_115 = arith.select %eq3A_101, %broadcast_in_dim3A_114, %select_n3A_113 : vector<1x128xi1>, vector<1x128xf32>
    %swap3A = arith.constant 0 : index
    %swap3A_116 = arith.constant 0 : index
    %swap3A_117 = vector.load %arg2[%swap3A, %swap3A_116] : memref<1x128xf32, #tpu.memory_space<vmem>>, vector<1x128xf32>
    tpu.vector_store %arg2[%swap3A, %swap3A_116], %select_n3A_115 {strides = array<i32>} : memref<1x128xf32, #tpu.memory_space<vmem>>, vector<1x128xf32>,
    return
  }
}

</mosaic_0001>

<sc_bundles>
// kernel: kernel.5.cloned.1.call-start
scs
__scs_entry_jumppad:
0x0: {  	(pc) =	sbr.rel $0x88, $3  }
0x1: {  	(tag) =	ssettag $0x0;
	lr =	simm.s32 $0x1  }
0x2: {  	[smem:$0x3F9F] =	sst lr;
	_ =	strace $0xD0000000  }
0x3: {  	_ = 	snop  }
0x4: {  	_ = 	snop  }
0x5: {  	_ = 	snop  }
0x6: {  	_ = 	snop  }
0x7: {  	_ = 	snop  }
__scs_overlays_trampoline_lowered:
0x8: {  	[smem:$0x3FAE] =	sst s0  }
0x9: {  	[smem:$0x3FAF] =	sst s1  }
0xa: {  	[smem:$0x3FB0] =	sst s2  }
0xb: {  	[smem:$0x3FB1] =	sst s3  }
0xc: {  	[smem:$0x3FB2] =	sst s4  }
0xd: {  	[smem:$0x3FB3] =	sst s5  }
0xe: {  	[smem:$0x3FB4] =	sst s6  }
0xf: {  	[smem:$0x3FB5] =	sst s7  }
0x10: {  	[smem:$0x3FB6] =	sst s8  }
0x11: {  	[smem:$0x3FB7] =	sst s9;
	s0 =	simm.s32 @!p0 $0x0  }
0x12: {  	s1 =	sld [smem:$0x3F9D];
	s0 =	simm.s32 @p0 $0x1  }
0x13: {  	[smem:$0x3FB8] =	sst s0;
	s0 =	simm.s32 @!p1 $0x0  }
0x14: {  	s2 =	sld [smem:$0x3F9C];
	s0 =	simm.s32 @p1 $0x1  }
0x15: {  	[smem:$0x3FB9] =	sst s0;
	s0 =	simm.s32 @!p2 $0x0  }
0x16: {  	s3 =	sld [smem:$0x3FDB];
	s0 =	simm.s32 @p2 $0x1  }
0x17: {  	s4 =	simm.s32 $0x1BF5;
	[smem:$0x3FBB] =	sst s0  }
0x18: {  	s0 =	sld [smem:$0x3F9E];
	_ =	swait.ge [sflag:s4], $0x0  }
0x19: {  	s7 =	sld [smem:$0x3F9F]  }
0x1a: {  	s8 =	sadd.s32 $0xFFFFE003, lr  }
0x1b: {  	s9 =	sadd.s32 $0xFFFFFEF7, lr;
	s5 =	simm.s32 $0xFFFFFFFF;
	p2 =	slt.u32 s8, $0xFFFFF086  }
0x1c: {  	p1 =	slt.u32 s9, $0xF7A;
	s5 =	simm.s32 @!p2 $0x0  }
0x1d: {  	s5 =	simm.s32 @p1 $0x1;
	p0 =	seq.s32 s7, s2  }
0x1e: {  	s7 =	smul.u32 @!p0 $0xF7A, s2;
	p2 =	seq.s32 @!p0 s5, $0x0  }
0x1f: {  	s9 =	smul.u32 $0xF7A, s1;
	s8 =	simm.s32 @!p0 $0x1BF5;
	p2 =	por !p2, p0  }
0x20: {  	[sflag:s8] =	ssyncset.s32 @!p0 $0xFFFFF086;
	s6 =	sadd.s32 @!p0 s3, s7;
	s7 =	simm.s32 @!p0 $0x108  }
0x21: {  	s3 =	sadd.s32 s3, s9;
	s6 =	sadd.s32 @!p0 $0x88, s6;
	s7 =	simm.s32 @p2 $0x1082  }
0x22: {  	[simem:s7], [sflag:s8] =	dma.local @!p0 [hbm:s6], $0xF7A  }
0x23: {  	s9 =	sor.u32 $0xD0000000, s2;
	s6 =	simm.s32 $0x108;
	_ =	swait.ge @!p0 [sflag:s8], $0x0  }
0x24: {  	s3 =	sadd.s32 $0x88, s3;
	s6 =	simm.s32 @!p1 $0x1082;
	[sflag:s4] =	ssyncset.s32 $0xFFFFF086  }
0x25: {  	[simem:s6], [sflag:s4] =	dma.local [hbm:s3], $0xF7A  }
0x26: {  	[smem:$0x3F9F] =	sst s1;
	(tag) =	ssettag s2;
	_ =	strace s9  }
0x27: {  	s1 =	sld [smem:$0x3FAF]  }
0x28: {  	s2 =	sld [smem:$0x3FB0]  }
0x29: {  	s4 =	sld [smem:$0x3FB2]  }
0x2a: {  	p0 =	seq.s32 s5, $0x0;
	s5 =	sld [smem:$0x3FB3]  }
0x2b: {  	s6 =	sld [smem:$0x3FB4]  }
0x2c: {  	s7 =	sld [smem:$0x3FB5]  }
0x2d: {  	s3 =	simm.s32 $0x108;
	s8 =	sld [smem:$0x3FB6]  }
0x2e: {  	s3 =	simm.s32 @!p0 $0x1082;
	s9 =	sld [smem:$0x3FB7]  }
0x2f: {  	lr =	sadd.s32 s0, s3;
	s0 =	sld [smem:$0x3FAE]  }
0x30: {  	s3 =	sld [smem:$0x3FB1]  }
0x31: {  	[smem:$0x3FBA] =	sst s10  }
0x32: {  	s10 =	sld [smem:$0x3FB8];
	_ =	sdelay $0x3  }
0x33: {  	p0 =	seq.s32 s10, $0x1;
	s10 =	sld [smem:$0x3FBA];
	_ =	sdelay $0x3  }
0x34: {  	[smem:$0x3FBA] =	sst s10  }
0x35: {  	s10 =	sld [smem:$0x3FB9];
	_ =	sdelay $0x3  }
0x36: {  	p1 =	seq.s32 s10, $0x1;
	s10 =	sld [smem:$0x3FBA];
	_ =	sdelay $0x3  }
0x37: {  	[smem:$0x3FBA] =	sst s10  }
0x38: {  	s10 =	sld [smem:$0x3FBB]  }
0x39: {  	_ = 	snop;
	(pc) =	sbr.ind lr, $3  }
0x3a: {  	_ = 	snop  }
0x3b: {  	_ = 	snop  }
0x3c: {  	p2 =	seq.s32 s10, $0x1;
	s10 =	sld [smem:$0x3FBA]  }
0x3d: {  	_ =	shalt  }
0x3e: {  	_ =	shalt  }
0x3f: {  	_ =	shalt  }
0x40: {  	_ =	shalt  }
0x41: {  	_ =	shalt  }
0x42: {  	_ =	shalt  }
0x43: {  	_ =	shalt  }
0x44: {  	_ =	shalt  }
0x45: {  	_ =	shalt  }
0x46: {  	_ =	shalt  }
0x47: {  	_ =	shalt  }
0x48: {  	_ =	shalt  }
0x49: {  	_ =	shalt  }
0x4a: {  	_ =	shalt  }
0x4b: {  	_ =	shalt  }
0x4c: {  	_ =	shalt  }
0x4d: {  	_ =	shalt  }
0x4e: {  	_ =	shalt  }
0x4f: {  	_ =	shalt  }
0x50: {  	_ =	shalt  }
0x51: {  	_ =	shalt  }
0x52: {  	_ =	shalt  }
0x53: {  	_ =	shalt  }
0x54: {  	_ =	shalt  }
0x55: {  	_ =	shalt  }
0x56: {  	_ =	shalt  }
0x57: {  	_ =	shalt  }
0x58: {  	_ =	shalt  }
0x59: {  	_ =	shalt  }
0x5a: {  	_ =	shalt  }
0x5b: {  	_ =	shalt  }
0x5c: {  	_ =	shalt  }
0x5d: {  	_ =	shalt  }
0x5e: {  	_ =	shalt  }
0x5f: {  	_ =	shalt  }
0x60: {  	_ =	shalt  }
0x61: {  	_ =	shalt  }
0x62: {  	_ =	shalt  }
0x63: {  	_ =	shalt  }
0x64: {  	_ =	shalt  }
0x65: {  	_ =	shalt  }
0x66: {  	_ =	shalt  }
0x67: {  	_ =	shalt  }
0x68: {  	_ =	shalt  }
0x69: {  	_ =	shalt  }
0x6a: {  	_ =	shalt  }
0x6b: {  	_ =	shalt  }
0x6c: {  	_ =	shalt  }
0x6d: {  	_ =	shalt  }
0x6e: {  	_ =	shalt  }
0x6f: {  	_ =	shalt  }
0x70: {  	_ =	shalt  }
0x71: {  	_ =	shalt  }
0x72: {  	_ =	shalt  }
0x73: {  	_ =	shalt  }
0x74: {  	_ =	shalt  }
0x75: {  	_ =	shalt  }
0x76: {  	_ =	shalt  }
0x77: {  	_ =	shalt  }
0x78: {  	_ =	shalt  }
0x79: {  	_ =	shalt  }
0x7a: {  	_ =	shalt  }
0x7b: {  	_ =	shalt  }
0x7c: {  	_ =	shalt  }
0x7d: {  	_ =	shalt  }
0x7e: {  	_ =	shalt  }
0x7f: {  	_ =	shalt  }
0x80: {  	_ =	shalt  }
0x81: {  	_ =	shalt  }
0x82: {  	_ =	shalt  }
0x83: {  	_ =	shalt  }
0x84: {  	_ =	shalt  }
0x85: {  	_ =	shalt  }
0x86: {  	_ =	shalt  }
0x87: {  	_ =	shalt  }
.Lfunc_end0:
.L_simem_size_0:
called_computation_lowered:
.L_overlay_start_0:
0x88: {  	s2 =	sld [smem:$0x3FD9]  }
0x89: {  	s3 =	sld [smem:$0x3FFE];
	_ =	sdelay $0x1  }
0x8a: {  	s1 =	srdreg.scid  }
0x8b: {  	s0 =	sand.u32 $0x1, s1  }
0x8c: {  	s17 =	sshll.u32 s0, $0xA;
	s2 =	sadd.s32 s3, s2  }
0x8d: {  	s2 =	sadd.s32 s2, s17  }
0x8e: {  	[smem:$0x3FC6] =	sst s2  }
0x8f: {  	_ = 	snop  }
0x90: {  	s2 =	sld [smem:$0x3FC9]  }
0x91: {  	s18 =	sld [smem:$0x3FC8];
	(tm) =	ssettm $0x1  }
0x92: {  	s4 =	sld [smem:$0x3FFB];
	_ =	sdelay $0x3  }
0x93: {  	_ =	strace s4  }
0x94: {  	s4 =	sld [smem:$0x3FFC];
	_ =	sdelay $0x3  }
0x95: {  	_ =	strace s4  }
0x96: {  	s4 =	sld [smem:$0x3FFD];
	_ =	sdelay $0x3  }
0x97: {  	_ =	strace s4  }
0x98: {  	_ =	strace $0x8FFFFFFF  }
0x99: {  	s19 =	sld [smem:$0x3FDB];
	_ =	sdelay $0x1  }
0x9a: {  	s5 =	simm.s32 $_scs_section_size  }
0x9b: {  	s6 =	simm.s32 $_size__tile_overlayer_lowered;
	s7 =	simm.s32 $_tile_overlayer_lowered  }
0x9c: {  	s22 =	simm.s32 $0x1BFF;
	s21 =	sshll.u32 s7, $0x1;
	s4 =	sadd.s32 s5, s19  }
0x9d: {  	s8 =	simm.s32 $0x0;
	s20 =	sshll.u32 s6, $0x1;
	s6 =	sadd.s32 s21, s4  }
0x9e: {  	[timem:s8], [sflag:s22] =	dma.local [hbm:s6], s20  }
0x9f: {  	_ =	swait.ge [sflag:s22], s20  }
0xa0: {  	s5 =	ssub.s32 $0x0, s20;
	[sflag:s22] =	ssyncset.done $0x0  }
0xa1: {  	[sflag:s22] =	ssyncadd.s32 s5;
	_ =	sdelay $0x1  }
0xa2: {  	s23 =	simm.s32 $0x1B8B  }
0xa3: {  	_ =	swait.ge [sflag:s23], $0x1  }
0xa4: {  	[sflag:s23] =	ssyncset.done $0x0  }
0xa5: {  	s25 =	simm.s32 $0x1B8E;
	s24 =	sld [smem:$0x3FFE];
	[sflag:s23] =	ssyncadd.s32 $0xFFFFFFFF  }
0xa6: {  	s26 =	simm.s32 $execute0_lowered;
	[smem:$0x3FD2] =	sst s25  }
0xa7: {  	s6 =	sshll.u32 s26, $0x1;
	_ =	strace $0x80000046;
	[dreg:$0x1] =	wrdreg $0xFFFFFFFF  }
0xa8: {  	s28 =	simm.s32 $_size_execute0_lowered;
	s4 =	sadd.s32 s4, s6;
	[dreg:$0x0] =	wrdreg $0x0  }
0xa9: {  	s6 =	sshll.u32 s28, $0x1;
	[dreg:$0x2] =	wrdreg s4  }
0xaa: {  	[dreg:$0x3] =	wrdreg s6  }
0xab: {  	[dreg:$0x4] =	wrdreg $0xC0  }
0xac: {  	_ =	task [dreg:s8], $0x5FFFF  }
0xad: {  	[dreg:$0x1] =	wrdreg $0xFFFFFFFF  }
0xae: {  	[dreg:$0x0] =	wrdreg $0x60  }
0xaf: {  	[dreg:$0x2] =	wrdreg s2  }
0xb0: {  	[dreg:$0x3] =	wrdreg s18  }
0xb1: {  	[dreg:$0x4] =	wrdreg s24  }
0xb2: {  	[dreg:$0x5] =	wrdreg $0x9  }
0xb3: {  	_ =	task.clear_ibuf [dreg:s8], $0x6FFFF;
	_ =	strace $0x90000046  }
0xb4: {  	s29 =	simm.s32 $0x9;
	_ =	strace $0x80000048  }
0xb5: {  	_ =	swait.ge [sflag:s29], $0x1  }
0xb6: {  	[sflag:s29] =	ssyncadd.s32 $0xFFFFFFFF  }
0xb7: {  	_ =	strace $0x90000048  }
0xb8: {  	_ =	sfence  }
0xb9: {  	s30 =	sld [smem:$0x0];
	_ =	sdelay $0x2  }
0xba: {  	s31 =	sshll.u32 s1, $0xD;
	s1 =	sshrl.u32 s1, $0x2  }
0xbb: {  	s3 =	sand.u32 $0x4000, s31;
	s1 =	sadd.s32 s1, s30  }
0xbc: {  	s0 =	sor.u32 s3, s0;
	s1 =	sshll.u32 s1, $0x11  }
0xbd: {  	s0 =	sor.u32 s1, s0  }
0xbe: {  	s0 =	sadd.s32 $0x8F2B, s0  }
0xbf: {  	[sflag:s0] =	ssyncadd.remote.s32 $0x1  }
0xc0: {  	_ =	sfence.sel $0xFFFF  }
0xc1: {  	[dreg:$0x0] =	wrdreg $0xFFFFFFFF;
	(pc) =	sbr.abs _section_cstart, $3  }
0xc2: {  	[dreg:$0x1] =	wrdreg $0xFFFFFFFF  }
0xc3: {  	_ =	task.clear_ibuf [dreg:s8], $0x2FFFF;
	_ =	strace $0x9FFFFFFF  }
0xc4: {  	(tm) =	ssettm $0x7FFFFFFF  }
0xc5: {  	_ =	shalt  }
tec
execute0_lowered:
.L_overlay_start_1:
0x0: {  	(tag) =	ssettag $0x1  }
0x1: {  	s5 =	rddreg [dreg:$0x0]  }
0x2: {  	s6 =	rddreg [dreg:$0x1]  }
0x3: {  	s3 =	rddreg [dreg:$0x2]  }
0x4: {  	s0 =	rddreg [dreg:$0x3];
	s2 =	simm.s32 $0x0;
	s4 =	srdreg.scid  }
0x5: {  	s1 =	stileid.u32;
	s11 =	simm.s32 $0xC000;
	s12 =	simm.s32 $0x1  }
0x6: {  	s13 =	simm.s32 $0x3;
	s14 =	simm.s32 $0x2;
	s15 =	simm.s32 $0x4  }
0x7: {  	s16 =	simm.s32 $0x10000;
	s17 =	simm.s32 $0x5;
	s18 =	simm.s32 $0x0  }
0x8: {  	[smem:$0x7FF] =	sst s2;
	s4 =	sand.u32 $0x1, s4;
	s7 =	sshll.u32 s1, $0x1  }
0x9: {  	_ =	strace $0x80000047;
	s7 =	sor.u32 s4, s7;
	s4 =	ssub.s32 $0x2, s4  }
0xa: {  	s8 =	sshll.u32 s7, $0x6;
	s7 =	sshll.u32 s7, $0xC;
	s31 =	sshrl.u32 s4, $0x1  }
0xb: {  	s8 =	sadd.s32 s8, s3;
	s9 =	sor.u32 $0x60000, s7;
	s10 =	ssub.s32 s4, s31  }
0xc: {  	s7 =	sor.u32 $0x60800, s7;
	s3 =	sadd.s32 s5, s9;
	s4 =	sadd.s32 s6, s9  }
0xd: {  	s5 =	sadd.s32 s5, s7;
	s6 =	sadd.s32 s6, s7;
	s7 =	sadd.s32 $0xA00, s8  }
0xe: {  	s8 =	smax.u32 s10, $0x1;
	s9 =	simm.s32 $0x8000;
	s10 =	simm.s32 $0x4000  }
.LBB2_1:
0xf: {  	[tilespmem:s2], [sflag:$0x1] =	stream.linear.gather [hbm4b:s3+s2], $0x4000, $0x38;
	[tilespmem:$0x10200] =	vst v63  }
0x10: {  	_ = 	snop  }
0x11: {  	[tilespmem:s9], [sflag:$0x3] =	stream.linear.gather [hbm4b:s4+s2], $0x4000, $0x38;
	[tilespmem:$0x10200] =	vst v63  }
0x12: {  	_ = 	snop  }
0x13: {  	[tilespmem:s10], [sflag:$0x2] =	stream.linear.gather [hbm4b:s5+s2], $0x4000, $0x38;
	[tilespmem:$0x10200] =	vst v63  }
0x14: {  	_ = 	snop  }
0x15: {  	[tilespmem:s11], [sflag:$0x4] =	stream.linear.gather [hbm4b:s6+s2], $0x4000, $0x38;
	[tilespmem:$0x10200] =	vst v63  }
0x16: {  	_ =	swait.ge [sflag:s12], $0x4000  }
0x17: {  	[sflag:s12] =	ssyncset.done $0x0  }
0x18: {  	[sflag:s12] =	ssyncadd.s32 $0xFFFFC000  }
0x19: {  	s19 =	sand.u32 $0x3000, s2;
	s20 =	sand.u32 $0xC00, s2;
	_ =	swait.ge [sflag:s13], $0x4000  }
0x1a: {  	s31 =	sand.u32 $0x380, s2;
	s19 =	sor.u32 s20, s19;
	[sflag:s13] =	ssyncset.done $0x0  }
0x1b: {  	s22 =	sor.u32 s31, s19;
	[sflag:s13] =	ssyncadd.s32 $0xFFFFC000  }
0x1c: {  	v0 =	vld [tilespmem:s22+$0x70]  }
0x1d: {  	v2 =	vld [tilespmem:s22+$0x8070]  }
0x1e: {  	v4 =	vld [tilespmem:s22+$0x60]  }
0x1f: {  	v11 =	vld [tilespmem:s22+$0x8060]  }
0x20: {  	v12 =	vld [tilespmem:s22+$0x50]  }
0x21: {  	v14 =	vld [tilespmem:s22+$0x8050]  }
0x22: {  	v15 =	vld [tilespmem:s22+$0x40]  }
0x23: {  	v16 =	vld [tilespmem:s22+$0x8040]  }
0x24: {  	v5 =	vld [tilespmem:s22+$0x8030]  }
0x25: {  	v3 =	vimm.f32 $0.0e+00;
	v7 =	vld [tilespmem:s22+$0x30]  }
0x26: {  	v1 =	vimm.s32 $0x0;
	vm5 =	vgt.f32 v11, $0.0e+00;
	vm9 =	vgt.f32 v2, $0.0e+00  }
0x27: {  	v6 =	vld [tilespmem:s22+$0x8020];
	vm8 =	vgt.f32 v0, $0.0e+00;
	vm1 =	vgt.f32 v14, $0.0e+00;
	vm4 =	vgt.f32 v4, $0.0e+00  }
0x28: {  	v8 =	vld [tilespmem:s22+$0x20];
	v10 =	vsub.f32 v0, v2;
	vm0 =	vgt.f32 v16, $0.0e+00;
	vm2 =	vgt.f32 v12, $0.0e+00  }
0x29: {  	v9 =	vld [tilespmem:s22+$0x8010];
	v11 =	vsub.f32 v4, v11;
	vm7 =	vgt.f32 v5, $0.0e+00;
	vm3 =	vgt.f32 v15, $0.0e+00  }
0x2a: {  	v13 =	vld [tilespmem:s22+$0x10];
	v12 =	vsub.f32 v12, v14;
	vm6 =	vgt.f32 v7, $0.0e+00;
	v14 =	vsub.f32 v15, v16  }
0x2b: {  	s21 =	simm.s32 $0x0;
	s20 =	simm.s32 $0x0;
	s19 =	simm.s32 $0x400;
	v15 =	vld [tilespmem:s22+$0x8000];
	v4 =	vimm.f32 $0.0e+00;
	v2 =	vimm.s32 $0x0;
	v0 =	vmpcnt.ones.xlane vm9  }
.LBB2_2:
0x2c: {  	p0 =	sne.s32 s19, $0x1FC00;
	v16 =	vld [tilespmem:s22+$0x0];
	vm11 =	vgt.f32 v6, $0.0e+00;
	v17 =	vmpcnt.ones.xlane vm5;
	v18 =	vmpcnt.ones.xlane vm8  }
0x2d: {  	v19 =	vmpcnt.ones.xlane vm1;
	v20 =	vmpcnt.ones.xlane vm4;
	vm10 =	vgt.f32 v8, $0.0e+00  }
0x2e: {  	v21 =	vmpcnt.ones.xlane vm0;
	v22 =	vmpcnt.ones.xlane vm2;
	vm12 =	vgt.f32 v9, $0.0e+00  }
0x2f: {  	v23 =	vmpcnt.ones.xlane vm7;
	v24 =	vmpcnt.ones.xlane vm3;
	vm13 =	vgt.f32 v13, $0.0e+00  }
0x30: {  	v26 =	vmpcnt.ones.xlane vm6;
	v25 =	vmpcnt.ones.xlane vm11;
	vm14 =	vgt.f32 v15, $0.0e+00  }
0x31: {  	v28 =	vmpcnt.ones.xlane vm10;
	v27 =	vmpcnt.ones.xlane vm12;
	vm15 =	vgt.f32 v16, $0.0e+00  }
0x32: {  	v29 =	vmpcnt.ones.xlane vm13;
	v15 =	vsub.f32 v16, v15;
	v16 =	vmpcnt.ones.xlane vm14  }
0x33: {  	v5 =	vsub.f32 v7, v5;
	v7 =	vmul.f32 v10, v10;
	v30 =	vmpcnt.ones.xlane vm15  }
0x34: {  	v11 =	vmul.f32 v11, v11;
	v9 =	vsub.f32 v13, v9;
	v10 =	vmul.f32 v15, v15  }
0x35: {  	v12 =	vmul.f32 v12, v12;
	v6 =	vsub.f32 v8, v6;
	v8 =	vmul.f32 v14, v14  }
0x36: {  	v5 =	vmul.f32 v5, v5;
	v9 =	vmul.f32 v9, v9;
	v13 =	vnsel vm14, $0x0, v10  }
0x37: {  	v6 =	vmul.f32 v6, v6;
	v10 =	vnsel vm15, $0x0, v10;
	v3 =	vadd.f32 v13, v3  }
0x38: {  	v4 =	vadd.f32 v10, v4;
	v10 =	vnsel vm12, $0x0, v9;
	v13 =	vnsel vm9, $0x0, v7  }
0x39: {  	s20 =	sadd.s32 $0x80, s20;
	v9 =	vnsel vm13, $0x0, v9;
	v3 =	vadd.f32 v10, v3;
	v10 =	vnsel vm8, $0x0, v7  }
0x3a: {  	s23 =	sand.u32 $0xC00, s19;
	s21 =	sadd.s32 $0x20, s21;
	s22 =	sand.u32 $0x3000, s20;
	v4 =	vadd.f32 v9, v4;
	v7 =	vnsel vm11, $0x0, v6;
	v9 =	vnsel vm5, $0x0, v11  }
0x3b: {  	s22 =	sor.u32 s23, s22;
	s23 =	sand.u32 $0x380, s21;
	v6 =	vnsel vm10, $0x0, v6;
	v3 =	vadd.f32 v7, v3;
	v7 =	vnsel vm4, $0x0, v11  }
0x3c: {  	s22 =	sor.u32 s23, s22;
	v4 =	vadd.f32 v6, v4;
	v6 =	vnsel vm7, $0x0, v5;
	v11 =	vnsel vm1, $0x0, v12  }
0x3d: {  	v5 =	vnsel vm6, $0x0, v5;
	v3 =	vadd.f32 v6, v3;
	v6 =	vnsel vm2, $0x0, v12;
	v14 =	vld [tilespmem:s22+$0x70]  }
0x3e: {  	v4 =	vadd.f32 v5, v4;
	v5 =	vnsel vm0, $0x0, v8;
	v8 =	vnsel vm3, $0x0, v8;
	v12 =	vld [tilespmem:s22+$0x8070]  }
0x3f: {  	v1 =	vadd.s32 v1, v16;
	v2 =	vadd.s32 v2, v30;
	v3 =	vadd.f32 v5, v3;
	v15 =	vld [tilespmem:s22+$0x60]  }
0x40: {  	v1 =	vadd.s32 v27, v1;
	v2 =	vadd.s32 v29, v2;
	v4 =	vadd.f32 v8, v4;
	v16 =	vld [tilespmem:s22+$0x8060]  }
0x41: {  	v1 =	vadd.s32 v25, v1;
	v2 =	vadd.s32 v28, v2;
	v3 =	vadd.f32 v11, v3;
	v27 =	vld [tilespmem:s22+$0x50]  }
0x42: {  	v1 =	vadd.s32 v23, v1;
	v2 =	vadd.s32 v26, v2;
	v4 =	vadd.f32 v6, v4;
	v25 =	vld [tilespmem:s22+$0x8050]  }
0x43: {  	v1 =	vadd.s32 v21, v1;
	v2 =	vadd.s32 v24, v2;
	v3 =	vadd.f32 v9, v3;
	v23 =	vld [tilespmem:s22+$0x40]  }
0x44: {  	v1 =	vadd.s32 v19, v1;
	v2 =	vadd.s32 v22, v2;
	v4 =	vadd.f32 v7, v4;
	v21 =	vld [tilespmem:s22+$0x8040]  }
0x45: {  	v1 =	vadd.s32 v17, v1;
	v2 =	vadd.s32 v20, v2;
	v3 =	vadd.f32 v13, v3;
	v5 =	vld [tilespmem:s22+$0x8030]  }
0x46: {  	v1 =	vadd.s32 v0, v1;
	v2 =	vadd.s32 v18, v2;
	v4 =	vadd.f32 v10, v4;
	v7 =	vld [tilespmem:s22+$0x30]  }
.Ltmp0:
0x47: {  	vm8 =	vgt.f32 v14, $0.0e+00;
	vm9 =	vgt.f32 v12, $0.0e+00;
	vm5 =	vgt.f32 v16, $0.0e+00;
	v6 =	vld [tilespmem:s22+$0x8020];
	(pc) =	sbr.rel @p0 .LBB2_2-.Ltmp0, $4  }
0x48: {  	vm4 =	vgt.f32 v15, $0.0e+00;
	v10 =	vsub.f32 v14, v12;
	vm1 =	vgt.f32 v25, $0.0e+00;
	v8 =	vld [tilespmem:s22+$0x20]  }
0x49: {  	v11 =	vsub.f32 v15, v16;
	vm2 =	vgt.f32 v27, $0.0e+00;
	v9 =	vld [tilespmem:s22+$0x8010];
	vm0 =	vgt.f32 v21, $0.0e+00  }
0x4a: {  	v12 =	vsub.f32 v27, v25;
	vm3 =	vgt.f32 v23, $0.0e+00;
	v13 =	vld [tilespmem:s22+$0x10];
	vm7 =	vgt.f32 v5, $0.0e+00  }
0x4b: {  	s19 =	sadd.s32 $0x400, s19;
	v0 =	vmpcnt.ones.xlane vm9;
	v14 =	vsub.f32 v23, v21;
	v15 =	vld [tilespmem:s22+$0x8000];
	vm6 =	vgt.f32 v7, $0.0e+00  }
0x4c: {  	v17 =	vmpcnt.ones.xlane vm5  }
0x4d: {  	v18 =	vmpcnt.ones.xlane vm8;
	v19 =	vmpcnt.ones.xlane vm1  }
0x4e: {  	v20 =	vmpcnt.ones.xlane vm4;
	v21 =	vmpcnt.ones.xlane vm0  }
0x4f: {  	v22 =	vmpcnt.ones.xlane vm2;
	v23 =	vmpcnt.ones.xlane vm7  }
0x50: {  	v16 =	vld [tilespmem:s22+$0x0];
	vm11 =	vgt.f32 v6, $0.0e+00;
	v24 =	vmpcnt.ones.xlane vm3;
	v26 =	vmpcnt.ones.xlane vm6  }
0x51: {  	v5 =	vsub.f32 v7, v5;
	v7 =	vmul.f32 v10, v10;
	v11 =	vmul.f32 v11, v11  }
0x52: {  	v12 =	vmul.f32 v12, v12;
	vm10 =	vgt.f32 v8, $0.0e+00;
	v25 =	vmpcnt.ones.xlane vm11  }
0x53: {  	v6 =	vsub.f32 v8, v6;
	v8 =	vmul.f32 v14, v14;
	vm13 =	vgt.f32 v9, $0.0e+00  }
0x54: {  	v28 =	vmpcnt.ones.xlane vm10;
	v5 =	vmul.f32 v5, v5;
	vm12 =	vgt.f32 v13, $0.0e+00  }
0x55: {  	v27 =	vmpcnt.ones.xlane vm13;
	vm14 =	vgt.f32 v15, $0.0e+00;
	v15 =	vsub.f32 v16, v15  }
0x56: {  	v9 =	vsub.f32 v13, v9;
	v6 =	vmul.f32 v6, v6;
	v29 =	vmpcnt.ones.xlane vm12  }
0x57: {  	_ =	swait.ge [sflag:s14], $0x4000;
	vm15 =	vgt.f32 v16, $0.0e+00;
	v16 =	vmpcnt.ones.xlane vm14;
	v10 =	vmul.f32 v15, v15  }
0x58: {  	[sflag:s14] =	ssyncset.done $0x0;
	v9 =	vmul.f32 v9, v9;
	v30 =	vmpcnt.ones.xlane vm15  }
0x59: {  	s19 =	simm.s32 $0x0;
	[sflag:s14] =	ssyncadd.s32 $0xFFFFC000;
	v1 =	vadd.s32 v1, v16;
	v13 =	vnsel vm14, $0x0, v10;
	v10 =	vnsel vm15, $0x0, v10  }
0x5a: {  	s20 =	sand.u32 $0x3000, s19;
	s21 =	sand.u32 $0xC00, s19;
	_ =	swait.ge [sflag:s15], $0x4000;
	v2 =	vadd.s32 v2, v30;
	v1 =	vadd.s32 v27, v1;
	v4 =	vadd.f32 v10, v4  }
0x5b: {  	s31 =	sand.u32 $0x380, s19;
	s20 =	sor.u32 s21, s20;
	[sflag:s15] =	ssyncset.done $0x0;
	v2 =	vadd.s32 v29, v2;
	v10 =	vnsel vm13, $0x0, v9;
	v9 =	vnsel vm12, $0x0, v9  }
0x5c: {  	s22 =	sor.u32 s31, s20;
	[sflag:s15] =	ssyncadd.s32 $0xFFFFC000;
	v1 =	vadd.s32 v25, v1;
	v3 =	vadd.f32 v13, v3;
	v4 =	vadd.f32 v9, v4  }
0x5d: {  	v14 =	vld [tilespmem:s22+$0xC070];
	v13 =	vnsel vm9, $0x0, v7;
	v9 =	vnsel vm11, $0x0, v6;
	v6 =	vnsel vm10, $0x0, v6  }
0x5e: {  	v7 =	vnsel vm8, $0x0, v7;
	v2 =	vadd.s32 v28, v2;
	v4 =	vadd.f32 v6, v4  }
0x5f: {  	v3 =	vadd.f32 v10, v3;
	v6 =	vnsel vm7, $0x0, v5;
	v5 =	vnsel vm6, $0x0, v5  }
0x60: {  	v61 =	vld [tilespmem:s22+$0xC050];
	v1 =	vadd.s32 v23, v1;
	v2 =	vadd.s32 v26, v2;
	v4 =	vadd.f32 v5, v4  }
0x61: {  	v62 =	vld [tilespmem:s22+$0x4040];
	v3 =	vadd.f32 v9, v3;
	v5 =	vnsel vm0, $0x0, v8;
	v8 =	vnsel vm3, $0x0, v8  }
0x62: {  	v63 =	vld [tilespmem:s22+$0xC040];
	v1 =	vadd.s32 v21, v1;
	vm9 =	vgt.f32 v14, $0.0e+00;
	v4 =	vadd.f32 v8, v4  }
0x63: {  	v16 =	vld [tilespmem:s22+$0xC060];
	v10 =	vnsel vm5, $0x0, v11;
	v3 =	vadd.f32 v6, v3;
	v6 =	vnsel vm2, $0x0, v12  }
0x64: {  	v15 =	vld [tilespmem:s22+$0x4060];
	v2 =	vadd.s32 v24, v2;
	v1 =	vadd.s32 v19, v1;
	v4 =	vadd.f32 v6, v4  }
0x65: {  	v9 =	vnsel vm4, $0x0, v11;
	v11 =	vnsel vm1, $0x0, v12;
	v12 =	vld [tilespmem:s22+$0x4070];
	v3 =	vadd.f32 v5, v3  }
0x66: {  	vm5 =	vgt.f32 v62, $0.0e+00;
	v2 =	vadd.s32 v22, v2;
	v5 =	vld [tilespmem:s22+$0xC030];
	v4 =	vadd.f32 v9, v4  }
0x67: {  	v1 =	vadd.s32 v17, v1;
	v2 =	vadd.s32 v20, v2;
	v3 =	vadd.f32 v11, v3;
	v11 =	vld [tilespmem:s22+$0x4050]  }
0x68: {  	v1 =	vadd.s32 v0, v1;
	vm6 =	vgt.f32 v16, $0.0e+00;
	v4 =	vadd.f32 v7, v4;
	v7 =	vld [tilespmem:s22+$0x4030]  }
0x69: {  	v0 =	vmpcnt.ones.xlane vm9;
	v2 =	vadd.s32 v18, v2;
	vm3 =	vgt.f32 v61, $0.0e+00;
	v6 =	vld [tilespmem:s22+$0xC020]  }
0x6a: {  	vm0 =	vgt.f32 v15, $0.0e+00;
	vm2 =	vgt.f32 v63, $0.0e+00;
	v8 =	vld [tilespmem:s22+$0x4020];
	v3 =	vadd.f32 v10, v3  }
0x6b: {  	vm1 =	vgt.f32 v12, $0.0e+00;
	v10 =	vsub.f32 v12, v14;
	v9 =	vld [tilespmem:s22+$0xC010];
	v12 =	vsub.f32 v15, v16  }
0x6c: {  	v14 =	vsub.f32 v62, v63;
	vm7 =	vgt.f32 v5, $0.0e+00;
	v3 =	vadd.f32 v13, v3;
	v13 =	vld [tilespmem:s22+$0x4010]  }
0x6d: {  	s21 =	simm.s32 $0x0;
	s20 =	simm.s32 $0x400;
	v15 =	vld [tilespmem:s22+$0xC000];
	vm4 =	vgt.f32 v11, $0.0e+00;
	v11 =	vsub.f32 v11, v61;
	vm8 =	vgt.f32 v7, $0.0e+00  }
.LBB2_4:
0x6e: {  	p0 =	sne.s32 s20, $0x1FC00;
	v16 =	vld [tilespmem:s22+$0x4000];
	vm11 =	vgt.f32 v6, $0.0e+00;
	v17 =	vmpcnt.ones.xlane vm6;
	v18 =	vmpcnt.ones.xlane vm1  }
0x6f: {  	v19 =	vmpcnt.ones.xlane vm3;
	v20 =	vmpcnt.ones.xlane vm0;
	vm10 =	vgt.f32 v8, $0.0e+00  }
0x70: {  	v21 =	vmpcnt.ones.xlane vm2;
	v22 =	vmpcnt.ones.xlane vm4;
	vm12 =	vgt.f32 v9, $0.0e+00  }
0x71: {  	v23 =	vmpcnt.ones.xlane vm7;
	v24 =	vmpcnt.ones.xlane vm5;
	vm13 =	vgt.f32 v13, $0.0e+00  }
0x72: {  	v26 =	vmpcnt.ones.xlane vm8;
	v25 =	vmpcnt.ones.xlane vm11;
	vm14 =	vgt.f32 v15, $0.0e+00  }
0x73: {  	v28 =	vmpcnt.ones.xlane vm10;
	v27 =	vmpcnt.ones.xlane vm12;
	vm15 =	vgt.f32 v16, $0.0e+00  }
0x74: {  	v29 =	vmpcnt.ones.xlane vm13;
	v15 =	vsub.f32 v16, v15;
	v16 =	vmpcnt.ones.xlane vm14  }
0x75: {  	v5 =	vsub.f32 v7, v5;
	v7 =	vmul.f32 v10, v10;
	v30 =	vmpcnt.ones.xlane vm15  }
0x76: {  	v12 =	vmul.f32 v12, v12;
	v9 =	vsub.f32 v13, v9;
	v10 =	vmul.f32 v15, v15  }
0x77: {  	v11 =	vmul.f32 v11, v11;
	v6 =	vsub.f32 v8, v6;
	v8 =	vmul.f32 v14, v14  }
0x78: {  	v5 =	vmul.f32 v5, v5;
	v9 =	vmul.f32 v9, v9;
	v13 =	vnsel vm14, $0x0, v10  }
0x79: {  	v6 =	vmul.f32 v6, v6;
	v10 =	vnsel vm15, $0x0, v10;
	v3 =	vadd.f32 v13, v3  }
0x7a: {  	v4 =	vadd.f32 v10, v4;
	v10 =	vnsel vm12, $0x0, v9;
	v13 =	vnsel vm9, $0x0, v7  }
0x7b: {  	s19 =	sadd.s32 $0x80, s19;
	v9 =	vnsel vm13, $0x0, v9;
	v3 =	vadd.f32 v10, v3;
	v10 =	vnsel vm1, $0x0, v7  }
0x7c: {  	s23 =	sand.u32 $0xC00, s20;
	s21 =	sadd.s32 $0x20, s21;
	s22 =	sand.u32 $0x3000, s19;
	v4 =	vadd.f32 v9, v4;
	v7 =	vnsel vm11, $0x0, v6;
	v9 =	vnsel vm6, $0x0, v12  }
0x7d: {  	s22 =	sor.u32 s23, s22;
	s23 =	sand.u32 $0x380, s21;
	v6 =	vnsel vm10, $0x0, v6;
	v3 =	vadd.f32 v7, v3;
	v7 =	vnsel vm0, $0x0, v12  }
0x7e: {  	s22 =	sor.u32 s23, s22;
	v4 =	vadd.f32 v6, v4;
	v6 =	vnsel vm7, $0x0, v5;
	v12 =	vnsel vm3, $0x0, v11  }
0x7f: {  	v5 =	vnsel vm8, $0x0, v5;
	v3 =	vadd.f32 v6, v3;
	v6 =	vnsel vm4, $0x0, v11;
	v14 =	vld [tilespmem:s22+$0x4070]  }
0x80: {  	v4 =	vadd.f32 v5, v4;
	v5 =	vnsel vm2, $0x0, v8;
	v8 =	vnsel vm5, $0x0, v8;
	v11 =	vld [tilespmem:s22+$0xC070]  }
0x81: {  	v1 =	vadd.s32 v1, v16;
	v2 =	vadd.s32 v2, v30;
	v3 =	vadd.f32 v5, v3;
	v15 =	vld [tilespmem:s22+$0x4060]  }
0x82: {  	v1 =	vadd.s32 v27, v1;
	v2 =	vadd.s32 v29, v2;
	v4 =	vadd.f32 v8, v4;
	v16 =	vld [tilespmem:s22+$0xC060]  }
0x83: {  	v1 =	vadd.s32 v25, v1;
	v2 =	vadd.s32 v28, v2;
	v3 =	vadd.f32 v12, v3;
	v27 =	vld [tilespmem:s22+$0x4050]  }
0x84: {  	v1 =	vadd.s32 v23, v1;
	v2 =	vadd.s32 v26, v2;
	v4 =	vadd.f32 v6, v4;
	v25 =	vld [tilespmem:s22+$0xC050]  }
0x85: {  	v1 =	vadd.s32 v21, v1;
	v2 =	vadd.s32 v24, v2;
	v3 =	vadd.f32 v9, v3;
	v23 =	vld [tilespmem:s22+$0x4040]  }
0x86: {  	v1 =	vadd.s32 v19, v1;
	v2 =	vadd.s32 v22, v2;
	v4 =	vadd.f32 v7, v4;
	v21 =	vld [tilespmem:s22+$0xC040]  }
0x87: {  	v1 =	vadd.s32 v17, v1;
	v2 =	vadd.s32 v20, v2;
	v3 =	vadd.f32 v13, v3;
	v5 =	vld [tilespmem:s22+$0xC030]  }
0x88: {  	v1 =	vadd.s32 v0, v1;
	v2 =	vadd.s32 v18, v2;
	v4 =	vadd.f32 v10, v4;
	v7 =	vld [tilespmem:s22+$0x4030]  }
.Ltmp1:
0x89: {  	vm1 =	vgt.f32 v14, $0.0e+00;
	vm9 =	vgt.f32 v11, $0.0e+00;
	vm6 =	vgt.f32 v16, $0.0e+00;
	v6 =	vld [tilespmem:s22+$0xC020];
	(pc) =	sbr.rel @p0 .LBB2_4-.Ltmp1, $4  }
0x8a: {  	vm0 =	vgt.f32 v15, $0.0e+00;
	v10 =	vsub.f32 v14, v11;
	vm3 =	vgt.f32 v25, $0.0e+00;
	v8 =	vld [tilespmem:s22+$0x4020]  }
0x8b: {  	v12 =	vsub.f32 v15, v16;
	vm4 =	vgt.f32 v27, $0.0e+00;
	v9 =	vld [tilespmem:s22+$0xC010];
	vm2 =	vgt.f32 v21, $0.0e+00  }
0x8c: {  	v11 =	vsub.f32 v27, v25;
	vm5 =	vgt.f32 v23, $0.0e+00;
	v13 =	vld [tilespmem:s22+$0x4010];
	vm7 =	vgt.f32 v5, $0.0e+00  }
0x8d: {  	s20 =	sadd.s32 $0x400, s20;
	v0 =	vmpcnt.ones.xlane vm9;
	v14 =	vsub.f32 v23, v21;
	v15 =	vld [tilespmem:s22+$0xC000];
	vm8 =	vgt.f32 v7, $0.0e+00  }
0x8e: {  	v17 =	vmpcnt.ones.xlane vm6;
	v18 =	vmpcnt.ones.xlane vm1  }
0x8f: {  	v19 =	vmpcnt.ones.xlane vm3;
	v20 =	vmpcnt.ones.xlane vm0  }
0x90: {  	v21 =	vmpcnt.ones.xlane vm2;
	v22 =	vmpcnt.ones.xlane vm4  }
0x91: {  	v23 =	vmpcnt.ones.xlane vm7;
	v24 =	vmpcnt.ones.xlane vm5  }
0x92: {  	v16 =	vld [tilespmem:s22+$0x4000];
	vm10 =	vgt.f32 v6, $0.0e+00;
	v26 =	vmpcnt.ones.xlane vm8;
	v47 =	vmul.f32 v10, v10  }
0x93: {  	v5 =	vsub.f32 v7, v5;
	v12 =	vmul.f32 v12, v12;
	v11 =	vmul.f32 v11, v11  }
0x94: {  	vm11 =	vgt.f32 v8, $0.0e+00;
	v25 =	vmpcnt.ones.xlane vm10;
	v50 =	vsub.f32 v8, v6  }
0x95: {  	v51 =	vmul.f32 v14, v14;
	vm12 =	vgt.f32 v9, $0.0e+00;
	v28 =	vmpcnt.ones.xlane vm11  }
0x96: {  	v5 =	vmul.f32 v5, v5;
	v56 =	vnsel vm6, $0x0, v12;
	v58 =	vnsel vm3, $0x0, v11  }
0x97: {  	v59 =	vnsel vm4, $0x0, v11;
	v61 =	vnsel vm0, $0x0, v12;
	v45 =	vsub.f32 v16, v15  }
0x98: {  	vm13 =	vgt.f32 v13, $0.0e+00;
	v27 =	vmpcnt.ones.xlane vm12;
	v49 =	vsub.f32 v13, v9  }
0x99: {  	v6 =	vmul.f32 v50, v50;
	v60 =	vnsel vm2, $0x0, v51;
	v48 =	vmul.f32 v45, v45  }
0x9a: {  	v8 =	vnsel vm5, $0x0, v51;
	vm14 =	vgt.f32 v15, $0.0e+00;
	v29 =	vmpcnt.ones.xlane vm13  }
0x9b: {  	vm15 =	vgt.f32 v16, $0.0e+00;
	v9 =	vmul.f32 v49, v49;
	v52 =	vnsel vm14, $0x0, v48  }
0x9c: {  	v57 =	vnsel vm7, $0x0, v5;
	v10 =	vnsel vm15, $0x0, v48;
	v3 =	vadd.f32 v52, v3  }
0x9d: {  	v5 =	vnsel vm8, $0x0, v5;
	v53 =	vnsel vm12, $0x0, v9;
	v4 =	vadd.f32 v10, v4  }
0x9e: {  	v46 =	vmpcnt.ones.xlane vm14;
	v9 =	vnsel vm13, $0x0, v9;
	v3 =	vadd.f32 v53, v3  }
0x9f: {  	v55 =	vnsel vm10, $0x0, v6;
	v30 =	vmpcnt.ones.xlane vm15;
	v4 =	vadd.f32 v9, v4  }
0xa0: {  	v6 =	vnsel vm11, $0x0, v6;
	v1 =	vadd.s32 v1, v46;
	v3 =	vadd.f32 v55, v3  }
0xa1: {  	v2 =	vadd.s32 v2, v30;
	v1 =	vadd.s32 v27, v1;
	v4 =	vadd.f32 v6, v4  }
0xa2: {  	v2 =	vadd.s32 v29, v2;
	v1 =	vadd.s32 v25, v1;
	v3 =	vadd.f32 v57, v3  }
0xa3: {  	v2 =	vadd.s32 v28, v2;
	v1 =	vadd.s32 v23, v1;
	v4 =	vadd.f32 v5, v4  }
0xa4: {  	v2 =	vadd.s32 v26, v2;
	v1 =	vadd.s32 v21, v1;
	v3 =	vadd.f32 v60, v3  }
0xa5: {  	v2 =	vadd.s32 v24, v2;
	v1 =	vadd.s32 v19, v1;
	v4 =	vadd.f32 v8, v4  }
0xa6: {  	v2 =	vadd.s32 v22, v2;
	v1 =	vadd.s32 v17, v1;
	v3 =	vadd.f32 v58, v3  }
0xa7: {  	v0 =	vadd.s32 v0, v1;
	v2 =	vadd.s32 v20, v2;
	v4 =	vadd.f32 v59, v4  }
0xa8: {  	v0 =	vcvt.s32.f32 v0;
	v2 =	vadd.s32 v18, v2;
	v3 =	vadd.f32 v56, v3  }
0xa9: {  	v54 =	vnsel vm9, $0x0, v47;
	v63 =	vcvt.s32.f32 v2;
	v4 =	vadd.f32 v61, v4  }
0xaa: {  	v62 =	vnsel vm1, $0x0, v47;
	[tilespmem:$0x10080] =	vst v0;
	v3 =	vadd.f32 v54, v3  }
0xab: {  	s18 =	sadd.s32 $0x1, s18;
	[tilespmem:$0x10180] =	vst v63;
	v1 =	vadd.f32 v62, v4  }
0xac: {  	p0 =	sne.s32 s18, s8;
	[tilespmem:$0x10000] =	vst v3  }
.Ltmp2:
0xad: {  	[tilespmem:$0x10100] =	vst v1;
	(pc) =	sbr.rel @p0 .LBB2_1-.Ltmp2, $4  }
0xae: {  	[hbm4b:s7+s2] =	stream.linear.scatter [tilespmem:s16], [sflag:$0x5], $0x200, $0x38;
	[tilespmem:$0x10200] =	vst v63  }
0xaf: {  	_ =	swait.ge [sflag:s17], $0x200  }
0xb0: {  	[sflag:s17] =	ssyncset.done $0x0  }
0xb1: {  	[sflag:s17] =	ssyncadd.s32 $0xFFFFFE00  }
0xb2: {  	_ =	sfence.sel $0x180000  }
0xb3: {  	[bflag:$0x0] =	sbarrier.arrive $0xFFFF  }
0xb4: {  	p0 =	sne.s32 s1, $0x0;
	_ =	strace $0x90000047  }
0xb5: {  	s0 =	sadd.s32 @!p0 $0x100000, s0;
	[bflag:$0x2] =	sbarrier.arrive $0xFFFF  }
0xb6: {  	[sflag:s0] =	ssyncadd.tile.s32 @!p0 $0x1;
	_ =	shalt  }
.Lfunc_end2:
_tile_overlayer_lowered:
.L_overlay_start_2:
0xb7: {  	(tag) =	ssettag $0x2  }
0xb8: {  	s0 =	rddreg [dreg:$0x0];
	s2 =	stileid.u32  }
0xb9: {  	s1 =	rddreg [dreg:$0x1];
	p0 =	sne.s32 s2, $0x0  }
0xba: {  	s3 =	rddreg [dreg:$0x2];
	[bflag:$0x3] =	sbarrier.arrive $0xFFFF;
	s2 =	simm.s32 @!p0 $0x1C05  }
0xbb: {  	[timem:s3], [sflag:s2] =	dma.local @!p0 [hbm:s0], s1  }
0xbc: {  	s0 =	simm.s32 @!p0 $0x5  }
0xbd: {  	_ =	swait.ge @!p0 [sflag:s0], s1  }
0xbe: {  	s1 =	ssub.s32 @!p0 $0x0, s1;
	[sflag:s0] =	ssyncset.done @!p0 $0x0  }
0xbf: {  	[sflag:s0] =	ssyncadd.s32 @!p0 s1  }
0xc0: {  	[bflag:$0x3] =	sbarrier.arrive $0xFFFF  }
0xc1: {  	_ =	shalt  }

</sc_bundles>
